<compile_context>
chip_gen: v7x
topology: tpu7x:2x2x1
jax: 0.10.2.dev20260603
libtpu: 0.0.44.dev20260713+nightly
codegen_flags: <defaults>
</compile_context>

<pallas_src>
import functools

import jax
import jax.numpy as jnp
from jax import lax
from jax.experimental import pallas as pl
from jax.experimental.pallas import tpu as pltpu
from jax.experimental.pallas import tpu_sc as plsc

LATENT = 256
KCODES = 1024
ROWS = 8192
BLOCK = 2048
GRID = ROWS // BLOCK
SUB = 64
NSUB = BLOCK // SUB

NC = 2
NS = 16
NW = NC * NS
BPW = ROWS // NW


def _xla_row_sum(xx):
    s1 = xx[:, :128] + xx[:, 128:]
    s1t = s1.T
    acc = s1t[0:8, :] + s1t[8:16, :]
    for k in range(2, 16):
        acc = acc + s1t[8 * k:8 * k + 8, :]
    b = acc[0:4, :] + acc[4:8, :]
    c = b[0:2, :] + b[2:4, :]
    return (c[0:1, :] + c[1:2, :]).T


def _tc_body(x_ref, emb_ref, w_ref, ids_ref, loss_ref, cb_ref,
             c2_ref, x2_ref, msq_ref):
    i = pl.program_id(0)

    @pl.when(i == 0)
    def _():
        cb = lax.dot_general(
            emb_ref[...], w_ref[...],
            (((1,), (1,)), ((), ())),
            preferred_element_type=jnp.float32)
        cb_ref[...] = cb
        ones = jnp.ones((1, LATENT), jnp.float32)
        c2_ref[...] = lax.dot_general(
            ones, cb * cb,
            (((1,), (1,)), ((), ())),
            preferred_element_type=jnp.float32)
        loss_ref[0, 0] = 0.0

    xb = x_ref[...]
    x2_ref[...] = _xla_row_sum(xb * xb)
    cb = cb_ref[...]

    c2 = c2_ref[...]
    iota = lax.broadcasted_iota(jnp.int32, (SUB, KCODES), 1)
    for j in range(NSUB):
        p = lax.dot_general(
            xb[j * SUB:(j + 1) * SUB, :], cb,
            (((1,), (1,)), ((), ())),
            preferred_element_type=jnp.float32)
        x2s = x2_ref[j * SUB:(j + 1) * SUB, :]
        d2 = jnp.maximum(x2s + c2 - 2.0 * p, 0.0)
        dists = d2 * lax.rsqrt(d2)
        m = jnp.min(dists, axis=1, keepdims=True)
        ids = jnp.min(jnp.where(dists == m, iota, KCODES), axis=1)
        ids_ref[0, 0, j * SUB:(j + 1) * SUB] = ids
        msq_ref[j * SUB:(j + 1) * SUB, :] = m * m
    loss_ref[0, 0] += jnp.sum(msq_ref[...])


def _tc_call(x_flat, embedding, W_proj):
    return pl.pallas_call(
        _tc_body,
        grid=(GRID,),
        in_specs=[
            pl.BlockSpec((BLOCK, LATENT), lambda i: (i, 0)),
            pl.BlockSpec((KCODES, LATENT), lambda i: (0, 0)),
            pl.BlockSpec((LATENT, LATENT), lambda i: (0, 0)),
        ],
        out_specs=[
            pl.BlockSpec((1, 1, BLOCK), lambda i: (i, 0, 0)),
            pl.BlockSpec((1, 1), lambda i: (0, 0),
                         memory_space=pltpu.SMEM),
            pl.BlockSpec((KCODES, LATENT), lambda i: (0, 0)),
        ],
        out_shape=[
            jax.ShapeDtypeStruct((GRID, 1, BLOCK), jnp.int32),
            jax.ShapeDtypeStruct((1, 1), jnp.float32),
            jax.ShapeDtypeStruct((KCODES, LATENT), jnp.float32),
        ],
        scratch_shapes=[
            pltpu.VMEM((1, KCODES), jnp.float32),
            pltpu.VMEM((BLOCK, 1), jnp.float32),
            pltpu.VMEM((BLOCK, 1), jnp.float32),
        ],
    )(x_flat, embedding, W_proj)


@functools.partial(
    pl.kernel,
    mesh=plsc.VectorSubcoreMesh(core_axis_name="c", subcore_axis_name="s"),
    out_type=jax.ShapeDtypeStruct((ROWS, LATENT), jnp.float32),
    scratch_types=[
        pltpu.VMEM((BPW,), jnp.int32),
        pltpu.VMEM((BPW, LATENT), jnp.float32),
        pltpu.SemaphoreType.DMA,
    ],
)
def _sc_gather(cb_hbm, idx_hbm, out_hbm, idx_v, rows_v, sem):
    wid = lax.axis_index("s") * NC + lax.axis_index("c")
    base = wid * BPW
    pltpu.sync_copy(idx_hbm.at[pl.ds(base, BPW)], idx_v)
    pltpu.async_copy(cb_hbm.at[idx_v], rows_v, sem).wait()
    pltpu.sync_copy(rows_v, out_hbm.at[pl.ds(base, BPW)])


def kernel(x, embedding, W_proj):
    x_flat = x.reshape(-1, LATENT)
    ids3, loss_acc, codebook = _tc_call(x_flat, embedding, W_proj)
    ids_flat = ids3.reshape(ROWS)
    quantized = _sc_gather(codebook, ids_flat)
    q_ste = quantized.reshape(x.shape)
    ids = ids3.reshape(x.shape[:-1])
    loss = 1.25 * loss_acc[0, 0] / (ROWS * LATENT)
    return q_ste, ids, loss

# --- scband reference (transcript-rebuilt; emitter-appended) ---
"""Pipeline reference for scband-quantization-17403207483789 (READ-ONLY COPY).

The authoritative reference and input builder live on the scoring server;
editing this copy changes nothing except your own understanding.
"""

import jax, jax.numpy as jnp
import numpy as np

LATENT_DIM = 256
CODEBOOK_SIZE = 1024
COMMITMENT = 0.25


def setup_inputs(seed: int = 0) -> dict:
    key = jax.random.key(seed)
    k1, k2, k3 = jax.random.split(key, 3)
    x = jax.random.normal(k1, (8, 1024, LATENT_DIM), dtype=jnp.float32)
    # nn.Embedding weight init: uniform(-1/K, 1/K) per module's _init_weights
    embedding = jax.random.uniform(
        k2, (CODEBOOK_SIZE, LATENT_DIM), dtype=jnp.float32,
        minval=-1.0 / CODEBOOK_SIZE, maxval=1.0 / CODEBOOK_SIZE)
    # nn.Linear(latent_dim, latent_dim, bias=False) default init: U(-1/sqrt(fan_in), 1/sqrt(fan_in))
    bound = 1.0 / np.sqrt(LATENT_DIM)
    W_proj = jax.random.uniform(
        k3, (LATENT_DIM, LATENT_DIM), dtype=jnp.float32,
        minval=-bound, maxval=bound)
    return {"x": x, "embedding": embedding, "W_proj": W_proj}


def reference(x, embedding, W_proj):
    # codebook = out_proj(embedding.weight) ; Linear(bias=False) -> emb @ W.T
    codebook = embedding @ W_proj.T
    d = x.shape[-1]
    x_flat = x.reshape(-1, d)
    # torch.cdist(x_flat, codebook, p=2): pairwise euclidean distances
    x2 = jnp.sum(x_flat * x_flat, axis=1, keepdims=True)
    c2 = jnp.sum(codebook * codebook, axis=1)[None, :]
    d2 = jnp.maximum(x2 + c2 - 2.0 * (x_flat @ codebook.T), 0.0)
    dists = jnp.sqrt(d2)
    ids = jnp.argmin(dists, axis=1)
    quantized = jnp.take(codebook, ids, axis=0).reshape(x.shape)
    # straight-through estimator
    q_ste = x + jax.lax.stop_gradient(quantized - x)
    loss = (jnp.mean((x - jax.lax.stop_gradient(q_ste)) ** 2)
            + COMMITMENT * jnp.mean((q_ste - jax.lax.stop_gradient(x)) ** 2))
    return q_ste, ids.reshape(x.shape[:-1]), loss

if __name__ == "__main__":
    import jax
    _d = setup_inputs()
    print(jax.jit(kernel)(*tuple(_d.values())))

</pallas_src>

<mosaic_0001>
#map = affine_map<(d0, d1) -> (0, 0)>
#map1 = affine_map<(d0, d1) -> (0)>
module attributes {stable_mosaic.version = 14 : i64} {
  func.func @_sc_gather(%arg0: i32, %arg1: i32, %arg2: memref<1024x256xf32, #tpu.memory_space<hbm>>, %arg3: memref<8192xi32, #tpu.memory_space<hbm>>, %arg4: memref<8192x256xf32, #tpu.memory_space<hbm>>, %arg5: memref<256xi32, #tpu.memory_space<vmem>>, %arg6: memref<256x256xf32, #tpu.memory_space<vmem>>, %arg7: memref<!tpu.dma_semaphore, #tpu.memory_space<semaphore_mem>>) attributes {dimension_semantics = [#tpu.dimension_semantics<core_parallel>, #tpu.dimension_semantics<subcore_parallel>], iteration_bounds = array<i64: 2, 16>, scalar_prefetch = 0 : i64, scratch_operands = 3 : i64, tpu.core_type = #tpu.core_type<sc_vector_subcore>, window_params = [{transform_indices = #map}, {transform_indices = #map1}, {transform_indices = #map}]} {
    %mul3A = arith.constant 2 : i32
    %mul3A_0 = arith.muli %arg1, %mul3A : i32
    %add3A = arith.addi %mul3A_0, %arg0 : i32
    %mul3A_1 = arith.constant 256 : i32
    %mul3A_2 = arith.muli %add3A, %mul3A_1 : i32
    "tpu.region"() ({
      %run_scoped3A = tpu.sem_alloc : memref<!tpu.dma_semaphore, #tpu.memory_space<semaphore_mem>>
      %dma_start3A_7 = tpu.memref_slice %arg3[%mul3A_2] : memref<8192xi32, #tpu.memory_space<hbm>> -> memref<256xi32, #tpu.memory_space<hbm>>
      %dma_start3A_8 = tpu.memref_slice %arg3[%mul3A_2] : memref<8192xi32, #tpu.memory_space<hbm>> -> memref<256xi32, #tpu.memory_space<hbm>>
      tpu.enqueue_dma source(%dma_start3A_8 : memref<256xi32, #tpu.memory_space<hbm>>) target(%arg5 : memref<256xi32, #tpu.memory_space<vmem>>) target_semaphore(%run_scoped3A : memref<!tpu.dma_semaphore, #tpu.memory_space<semaphore_mem>>)
      %dma_wait3A_9 = tpu.memref_slice %arg3[%mul3A_2] : memref<8192xi32, #tpu.memory_space<hbm>> -> memref<256xi32, #tpu.memory_space<hbm>>
      %dma_wait3A_10 = tpu.memref_slice %arg3[%mul3A_2] : memref<8192xi32, #tpu.memory_space<hbm>> -> memref<256xi32, #tpu.memory_space<hbm>>
      tpu.wait_dma2 semaphore(%run_scoped3A : memref<!tpu.dma_semaphore, #tpu.memory_space<semaphore_mem>>) src(%dma_wait3A_10 : memref<256xi32, #tpu.memory_space<hbm>>) dst(%arg5 : memref<256xi32, #tpu.memory_space<vmem>>)
      tpu.yield
    }) : () -> ()
    %dma_start3A = arith.constant 0 : i32
    %dma_start3A_3 = arith.constant 0 : i32
    %dma_start3A_4 = tpu.memref_slice %arg2[%dma_start3A, %dma_start3A_3] : memref<1024x256xf32, #tpu.memory_space<hbm>> -> memref<1024x256xf32, #tpu.memory_space<hbm>>
    tpu.enqueue_indirect_dma source(%dma_start3A_4 : memref<1024x256xf32, #tpu.memory_space<hbm>>) target(%arg6 : memref<256x256xf32, #tpu.memory_space<vmem>>) offsets(%arg5 : memref<256xi32, #tpu.memory_space<vmem>>) semaphore(%arg7 : memref<!tpu.dma_semaphore, #tpu.memory_space<semaphore_mem>>)
    %dma_wait3A = arith.constant 0 : i32
    %dma_wait3A_5 = arith.constant 0 : i32
    %dma_wait3A_6 = tpu.memref_slice %arg2[%dma_wait3A, %dma_wait3A_5] : memref<1024x256xf32, #tpu.memory_space<hbm>> -> memref<1024x256xf32, #tpu.memory_space<hbm>>
    tpu.wait_indirect_dma semaphore(%arg7 : memref<!tpu.dma_semaphore, #tpu.memory_space<semaphore_mem>>) src(%dma_wait3A_6 : memref<1024x256xf32, #tpu.memory_space<hbm>>) dst(%arg6 : memref<256x256xf32, #tpu.memory_space<vmem>>)
    "tpu.region"() ({
      %run_scoped3A = tpu.sem_alloc : memref<!tpu.dma_semaphore, #tpu.memory_space<semaphore_mem>>
      %dma_start3A_7 = arith.constant 0 : i32
      %dma_start3A_8 = tpu.memref_slice %arg4[%mul3A_2, %dma_start3A_7] : memref<8192x256xf32, #tpu.memory_space<hbm>> -> memref<256x256xf32, #tpu.memory_space<hbm>>
      %dma_start3A_9 = arith.constant 0 : i32
      %dma_start3A_10 = tpu.memref_slice %arg4[%mul3A_2, %dma_start3A_9] : memref<8192x256xf32, #tpu.memory_space<hbm>> -> memref<256x256xf32, #tpu.memory_space<hbm>>
      tpu.enqueue_dma source(%arg6 : memref<256x256xf32, #tpu.memory_space<vmem>>) target(%dma_start3A_10 : memref<256x256xf32, #tpu.memory_space<hbm>>) target_semaphore(%run_scoped3A : memref<!tpu.dma_semaphore, #tpu.memory_space<semaphore_mem>>)
      %dma_wait3A_11 = arith.constant 0 : i32
      %dma_wait3A_12 = tpu.memref_slice %arg4[%mul3A_2, %dma_wait3A_11] : memref<8192x256xf32, #tpu.memory_space<hbm>> -> memref<256x256xf32, #tpu.memory_space<hbm>>
      %dma_wait3A_13 = arith.constant 0 : i32
      %dma_wait3A_14 = tpu.memref_slice %arg4[%mul3A_2, %dma_wait3A_13] : memref<8192x256xf32, #tpu.memory_space<hbm>> -> memref<256x256xf32, #tpu.memory_space<hbm>>
      tpu.wait_dma2 semaphore(%run_scoped3A : memref<!tpu.dma_semaphore, #tpu.memory_space<semaphore_mem>>) src(%arg6 : memref<256x256xf32, #tpu.memory_space<vmem>>) dst(%dma_wait3A_14 : memref<256x256xf32, #tpu.memory_space<hbm>>)
      tpu.yield
    }) : () -> ()
    return
  }
}

module attributes {stable_mosaic.version = 14 : i64} {
  func.func @_tc_body(%arg0: i32, %arg1: memref<2048x256xf32, #tpu.memory_space<vmem>>, %arg2: memref<1024x256xf32, #tpu.memory_space<vmem>>, %arg3: memref<256x256xf32, #tpu.memory_space<vmem>>, %arg4: memref<1x1x2048xi32, #tpu.memory_space<vmem>>, %arg5: memref<1x1xf32, #tpu.memory_space<smem>>, %arg6: memref<1024x256xf32, #tpu.memory_space<vmem>>, %arg7: memref<1x1024xf32, #tpu.memory_space<vmem>>, %arg8: memref<2048x1xf32, #tpu.memory_space<vmem>>, %arg9: memref<2048x1xf32, #tpu.memory_space<vmem>>) attributes {dimension_semantics = [#tpu.dimension_semantics<arbitrary>], iteration_bounds = array<i64: 4>, scalar_prefetch = 0 : i64, scratch_operands = 3 : i64, tpu.core_type = #tpu.core_type<tc>, window_params = [{transform_indices = @transform_0, window_bounds = array<i64: 2048, 256>}, {pipeline_mode = #tpu.pipeline_mode<synchronous>, transform_indices = @transform_1, window_bounds = array<i64: 1024, 256>}, {pipeline_mode = #tpu.pipeline_mode<synchronous>, transform_indices = @transform_2, window_bounds = array<i64: 256, 256>}, {transform_indices = @transform_3, window_bounds = array<i64: 1, 1, 2048>}, {transform_indices = @transform_4, window_bounds = array<i64: 1, 1>}, {pipeline_mode = #tpu.pipeline_mode<synchronous>, transform_indices = @transform_5, window_bounds = array<i64: 1024, 256>}]} {
    %eq3A = arith.constant 0 : i32
    %eq3A_0 = arith.cmpi eq, %arg0, %eq3A : i32
    %convert_element_type3A = arith.extui %eq3A_0 : i1 to i32
    %cond3A = arith.constant 0 : i32
    %cond3A_1 = arith.cmpi ne, %convert_element_type3A, %cond3A : i32
    scf.if %cond3A_1 {
      %get3A_1276 = arith.constant 0 : index
      %get3A_1277 = arith.constant 0 : index
      %get3A_1278 = vector.load %arg2[%get3A_1276, %get3A_1277] : memref<1024x256xf32, #tpu.memory_space<vmem>>, vector<1024x256xf32>
      %get3A_1279 = arith.constant 0 : index
      %get3A_1280 = arith.constant 0 : index
      %get3A_1281 = vector.load %arg3[%get3A_1279, %get3A_1280] : memref<256x256xf32, #tpu.memory_space<vmem>>, vector<256x256xf32>
      %dot_general3A_1282 = arith.constant dense<0.000000e+00> : vector<1024x256xf32>
      %dot_general3A_1283 = tpu.matmul %get3A_1278, %get3A_1281, %dot_general3A_1282 {dimension_numbers = #tpu.dot_dimension_numbers<[1], [1], [0], [0], [0, 0, 1, 0], [], []>, transpose_lhs_hint = false} : vector<1024x256xf32>, vector<256x256xf32>, vector<1024x256xf32> -> vector<1024x256xf32>
      %swap3A_1284 = arith.constant 0 : index
      %swap3A_1285 = arith.constant 0 : index
      %swap3A_1286 = vector.load %arg6[%swap3A_1284, %swap3A_1285] : memref<1024x256xf32, #tpu.memory_space<vmem>>, vector<1024x256xf32>
      tpu.vector_store %arg6[%swap3A_1284, %swap3A_1285], %dot_general3A_1283 {strides = array<i32>} : memref<1024x256xf32, #tpu.memory_space<vmem>>, vector<1024x256xf32>,
      %broadcast_in_dim3A_1287 = arith.constant 1.000000e+00 : f32
      %broadcast_in_dim3A_1288 = vector.broadcast %broadcast_in_dim3A_1287 : f32 to vector<1x256xf32>
      %mul3A_1289 = arith.mulf %dot_general3A_1283, %dot_general3A_1283 : vector<1024x256xf32>
      %dot_general3A_1290 = arith.constant dense<0.000000e+00> : vector<1x1024xf32>
      %dot_general3A_1291 = tpu.matmul %broadcast_in_dim3A_1288, %mul3A_1289, %dot_general3A_1290 {dimension_numbers = #tpu.dot_dimension_numbers<[1], [1], [0], [0], [0, 0, 1, 0], [], []>, transpose_lhs_hint = false} : vector<1x256xf32>, vector<1024x256xf32>, vector<1x1024xf32> -> vector<1x1024xf32>
      %swap3A_1292 = arith.constant 0 : index
      %swap3A_1293 = arith.constant 0 : index
      %swap3A_1294 = vector.load %arg7[%swap3A_1292, %swap3A_1293] : memref<1x1024xf32, #tpu.memory_space<vmem>>, vector<1x1024xf32>
      tpu.vector_store %arg7[%swap3A_1292, %swap3A_1293], %dot_general3A_1291 {strides = array<i32>} : memref<1x1024xf32, #tpu.memory_space<vmem>>, vector<1x1024xf32>,
      %swap3A_1295 = arith.constant 0.000000e+00 : f32
      %swap3A_1296 = arith.constant 0 : index
      %swap3A_1297 = arith.constant 0 : index
      %swap3A_1298 = memref.load %arg5[%swap3A_1296, %swap3A_1297] : memref<1x1xf32, #tpu.memory_space<smem>>
      memref.store %swap3A_1295, %arg5[%swap3A_1296, %swap3A_1297] : memref<1x1xf32, #tpu.memory_space<smem>>
    } else {
    }
    %get3A = arith.constant 0 : index
    %get3A_2 = arith.constant 0 : index
    %get3A_3 = vector.load %arg1[%get3A, %get3A_2] : memref<2048x256xf32, #tpu.memory_space<vmem>>, vector<2048x256xf32>
    %mul3A = arith.mulf %get3A_3, %get3A_3 : vector<2048x256xf32>
    %slice3A = vector.extract_strided_slice %mul3A {offsets = [0, 0], sizes = [2048, 128], strides = [1, 1]} : vector<2048x256xf32> to vector<2048x128xf32>
    %slice3A_4 = vector.extract_strided_slice %mul3A {offsets = [0, 128], sizes = [2048, 128], strides = [1, 1]} : vector<2048x256xf32> to vector<2048x128xf32>
    %add3A = arith.addf %slice3A, %slice3A_4 : vector<2048x128xf32>
    %transpose3A = tpu.transpose %add3A, [1, 0] : vector<2048x128xf32> -> vector<128x2048xf32>
    %slice3A_5 = vector.extract_strided_slice %transpose3A {offsets = [0, 0], sizes = [8, 2048], strides = [1, 1]} : vector<128x2048xf32> to vector<8x2048xf32>
    %slice3A_6 = vector.extract_strided_slice %transpose3A {offsets = [8, 0], sizes = [8, 2048], strides = [1, 1]} : vector<128x2048xf32> to vector<8x2048xf32>
    %add3A_7 = arith.addf %slice3A_5, %slice3A_6 : vector<8x2048xf32>
    %slice3A_8 = vector.extract_strided_slice %transpose3A {offsets = [16, 0], sizes = [8, 2048], strides = [1, 1]} : vector<128x2048xf32> to vector<8x2048xf32>
    %add3A_9 = arith.addf %add3A_7, %slice3A_8 : vector<8x2048xf32>
    %slice3A_10 = vector.extract_strided_slice %transpose3A {offsets = [24, 0], sizes = [8, 2048], strides = [1, 1]} : vector<128x2048xf32> to vector<8x2048xf32>
    %add3A_11 = arith.addf %add3A_9, %slice3A_10 : vector<8x2048xf32>
    %slice3A_12 = vector.extract_strided_slice %transpose3A {offsets = [32, 0], sizes = [8, 2048], strides = [1, 1]} : vector<128x2048xf32> to vector<8x2048xf32>
    %add3A_13 = arith.addf %add3A_11, %slice3A_12 : vector<8x2048xf32>
    %slice3A_14 = vector.extract_strided_slice %transpose3A {offsets = [40, 0], sizes = [8, 2048], strides = [1, 1]} : vector<128x2048xf32> to vector<8x2048xf32>
    %add3A_15 = arith.addf %add3A_13, %slice3A_14 : vector<8x2048xf32>
    %slice3A_16 = vector.extract_strided_slice %transpose3A {offsets = [48, 0], sizes = [8, 2048], strides = [1, 1]} : vector<128x2048xf32> to vector<8x2048xf32>
    %add3A_17 = arith.addf %add3A_15, %slice3A_16 : vector<8x2048xf32>
    %slice3A_18 = vector.extract_strided_slice %transpose3A {offsets = [56, 0], sizes = [8, 2048], strides = [1, 1]} : vector<128x2048xf32> to vector<8x2048xf32>
    %add3A_19 = arith.addf %add3A_17, %slice3A_18 : vector<8x2048xf32>
    %slice3A_20 = vector.extract_strided_slice %transpose3A {offsets = [64, 0], sizes = [8, 2048], strides = [1, 1]} : vector<128x2048xf32> to vector<8x2048xf32>
    %add3A_21 = arith.addf %add3A_19, %slice3A_20 : vector<8x2048xf32>
    %slice3A_22 = vector.extract_strided_slice %transpose3A {offsets = [72, 0], sizes = [8, 2048], strides = [1, 1]} : vector<128x2048xf32> to vector<8x2048xf32>
    %add3A_23 = arith.addf %add3A_21, %slice3A_22 : vector<8x2048xf32>
    %slice3A_24 = vector.extract_strided_slice %transpose3A {offsets = [80, 0], sizes = [8, 2048], strides = [1, 1]} : vector<128x2048xf32> to vector<8x2048xf32>
    %add3A_25 = arith.addf %add3A_23, %slice3A_24 : vector<8x2048xf32>
    %slice3A_26 = vector.extract_strided_slice %transpose3A {offsets = [88, 0], sizes = [8, 2048], strides = [1, 1]} : vector<128x2048xf32> to vector<8x2048xf32>
    %add3A_27 = arith.addf %add3A_25, %slice3A_26 : vector<8x2048xf32>
    %slice3A_28 = vector.extract_strided_slice %transpose3A {offsets = [96, 0], sizes = [8, 2048], strides = [1, 1]} : vector<128x2048xf32> to vector<8x2048xf32>
    %add3A_29 = arith.addf %add3A_27, %slice3A_28 : vector<8x2048xf32>
    %slice3A_30 = vector.extract_strided_slice %transpose3A {offsets = [104, 0], sizes = [8, 2048], strides = [1, 1]} : vector<128x2048xf32> to vector<8x2048xf32>
    %add3A_31 = arith.addf %add3A_29, %slice3A_30 : vector<8x2048xf32>
    %slice3A_32 = vector.extract_strided_slice %transpose3A {offsets = [112, 0], sizes = [8, 2048], strides = [1, 1]} : vector<128x2048xf32> to vector<8x2048xf32>
    %add3A_33 = arith.addf %add3A_31, %slice3A_32 : vector<8x2048xf32>
    %slice3A_34 = vector.extract_strided_slice %transpose3A {offsets = [120, 0], sizes = [8, 2048], strides = [1, 1]} : vector<128x2048xf32> to vector<8x2048xf32>
    %add3A_35 = arith.addf %add3A_33, %slice3A_34 : vector<8x2048xf32>
    %slice3A_36 = vector.extract_strided_slice %add3A_35 {offsets = [0, 0], sizes = [4, 2048], strides = [1, 1]} : vector<8x2048xf32> to vector<4x2048xf32>
    %slice3A_37 = vector.extract_strided_slice %add3A_35 {offsets = [4, 0], sizes = [4, 2048], strides = [1, 1]} : vector<8x2048xf32> to vector<4x2048xf32>
    %add3A_38 = arith.addf %slice3A_36, %slice3A_37 : vector<4x2048xf32>
    %slice3A_39 = vector.extract_strided_slice %add3A_38 {offsets = [0, 0], sizes = [2, 2048], strides = [1, 1]} : vector<4x2048xf32> to vector<2x2048xf32>
    %slice3A_40 = vector.extract_strided_slice %add3A_38 {offsets = [2, 0], sizes = [2, 2048], strides = [1, 1]} : vector<4x2048xf32> to vector<2x2048xf32>
    %add3A_41 = arith.addf %slice3A_39, %slice3A_40 : vector<2x2048xf32>
    %slice3A_42 = vector.extract_strided_slice %add3A_41 {offsets = [0, 0], sizes = [1, 2048], strides = [1, 1]} : vector<2x2048xf32> to vector<1x2048xf32>
    %slice3A_43 = vector.extract_strided_slice %add3A_41 {offsets = [1, 0], sizes = [1, 2048], strides = [1, 1]} : vector<2x2048xf32> to vector<1x2048xf32>
    %add3A_44 = arith.addf %slice3A_42, %slice3A_43 : vector<1x2048xf32>
    %transpose3A_45 = tpu.transpose %add3A_44, [1, 0] : vector<1x2048xf32> -> vector<2048x1xf32>
    %swap3A = arith.constant 0 : index
    %swap3A_46 = arith.constant 0 : index
    %swap3A_47 = vector.load %arg8[%swap3A, %swap3A_46] : memref<2048x1xf32, #tpu.memory_space<vmem>>, vector<2048x1xf32>
    tpu.vector_store %arg8[%swap3A, %swap3A_46], %transpose3A_45 {strides = array<i32>} : memref<2048x1xf32, #tpu.memory_space<vmem>>, vector<2048x1xf32>,
    %get3A_48 = arith.constant 0 : index
    %get3A_49 = arith.constant 0 : index
    %get3A_50 = vector.load %arg6[%get3A_48, %get3A_49] : memref<1024x256xf32, #tpu.memory_space<vmem>>, vector<1024x256xf32>
    %get3A_51 = arith.constant 0 : index
    %get3A_52 = arith.constant 0 : index
    %get3A_53 = vector.load %arg7[%get3A_51, %get3A_52] : memref<1x1024xf32, #tpu.memory_space<vmem>>, vector<1x1024xf32>
    %iota3A = tpu.iota {dimensions = array<i32: 1>} : vector<64x1024xi32>
    %slice3A_54 = vector.extract_strided_slice %get3A_3 {offsets = [0, 0], sizes = [64, 256], strides = [1, 1]} : vector<2048x256xf32> to vector<64x256xf32>
    %dot_general3A = arith.constant dense<0.000000e+00> : vector<64x1024xf32>
    %dot_general3A_55 = tpu.matmul %slice3A_54, %get3A_50, %dot_general3A {dimension_numbers = #tpu.dot_dimension_numbers<[1], [1], [0], [0], [0, 0, 1, 0], [], []>, transpose_lhs_hint = false} : vector<64x256xf32>, vector<1024x256xf32>, vector<64x1024xf32> -> vector<64x1024xf32>
    %get3A_56 = arith.constant 0 : index
    %get3A_57 = arith.constant 0 : index
    %get3A_58 = vector.load %arg8[%get3A_56, %get3A_57] : memref<2048x1xf32, #tpu.memory_space<vmem>>, vector<64x1xf32>
    %add3A_59 = vector.broadcast %get3A_58 : vector<64x1xf32> to vector<64x1024xf32>
    %add3A_60 = vector.broadcast %get3A_53 : vector<1x1024xf32> to vector<64x1024xf32>
    %add3A_61 = arith.addf %add3A_59, %add3A_60 : vector<64x1024xf32>
    %mul3A_62 = arith.constant 2.000000e+00 : f32
    %mul3A_63 = vector.broadcast %mul3A_62 : f32 to vector<64x1024xf32>
    %mul3A_64 = arith.mulf %mul3A_63, %dot_general3A_55 : vector<64x1024xf32>
    %sub3A = arith.subf %add3A_61, %mul3A_64 : vector<64x1024xf32>
    %max3A = arith.constant 0.000000e+00 : f32
    %max3A_65 = vector.broadcast %max3A : f32 to vector<64x1024xf32>
    %max3A_66 = arith.maximumf %sub3A, %max3A_65 : vector<64x1024xf32>
    %rsqrt3A = math.rsqrt %max3A_66 : vector<64x1024xf32>
    %mul3A_67 = arith.mulf %max3A_66, %rsqrt3A : vector<64x1024xf32>
    %reduce_min3A = arith.constant dense<0x7F800000> : vector<64xf32>
    %reduce_min3A_68 = vector.multi_reduction <minimumf>, %mul3A_67, %reduce_min3A [1] : vector<64x1024xf32> to vector<64xf32>
    %broadcast_in_dim3A = vector.shape_cast %reduce_min3A_68 : vector<64xf32> to vector<64x1xf32>
    %eq3A_69 = vector.broadcast %broadcast_in_dim3A : vector<64x1xf32> to vector<64x1024xf32>
    %eq3A_70 = arith.cmpf oeq, %mul3A_67, %eq3A_69 : vector<64x1024xf32>
    %jit3A = arith.constant 1024 : i32
    %broadcast_in_dim3A_71 = vector.broadcast %jit3A : i32 to vector<64x1024xi32>
    %select_n3A = arith.select %eq3A_70, %iota3A, %broadcast_in_dim3A_71 : vector<64x1024xi1>, vector<64x1024xi32>
    %reduce_min3A_72 = arith.constant dense<2147483647> : vector<64xi32>
    %reduce_min3A_73 = vector.multi_reduction <minsi>, %select_n3A, %reduce_min3A_72 [1] : vector<64x1024xi32> to vector<64xi32>
    %swap3A_74 = arith.constant 0 : index
    %swap3A_75 = arith.constant 0 : index
    %swap3A_76 = arith.constant 0 : index
    %swap3A_77 = vector.load %arg4[%swap3A_74, %swap3A_75, %swap3A_76] : memref<1x1x2048xi32, #tpu.memory_space<vmem>>, vector<1x1x64xi32>
    %swap3A_78 = vector.shape_cast %swap3A_77 : vector<1x1x64xi32> to vector<64xi32>
    %swap3A_79 = vector.shape_cast %reduce_min3A_73 : vector<64xi32> to vector<1x1x64xi32>
    tpu.vector_store %arg4[%swap3A_74, %swap3A_75, %swap3A_76], %swap3A_79 {strides = array<i32>} : memref<1x1x2048xi32, #tpu.memory_space<vmem>>, vector<1x1x64xi32>,
    %mul3A_80 = arith.mulf %broadcast_in_dim3A, %broadcast_in_dim3A : vector<64x1xf32>
    %swap3A_81 = arith.constant 0 : index
    %swap3A_82 = arith.constant 0 : index
    %swap3A_83 = vector.load %arg9[%swap3A_81, %swap3A_82] : memref<2048x1xf32, #tpu.memory_space<vmem>>, vector<64x1xf32>
    tpu.vector_store %arg9[%swap3A_81, %swap3A_82], %mul3A_80 {strides = array<i32>} : memref<2048x1xf32, #tpu.memory_space<vmem>>, vector<64x1xf32>,
    %slice3A_84 = vector.extract_strided_slice %get3A_3 {offsets = [64, 0], sizes = [64, 256], strides = [1, 1]} : vector<2048x256xf32> to vector<64x256xf32>
    %dot_general3A_85 = arith.constant dense<0.000000e+00> : vector<64x1024xf32>
    %dot_general3A_86 = tpu.matmul %slice3A_84, %get3A_50, %dot_general3A_85 {dimension_numbers = #tpu.dot_dimension_numbers<[1], [1], [0], [0], [0, 0, 1, 0], [], []>, transpose_lhs_hint = false} : vector<64x256xf32>, vector<1024x256xf32>, vector<64x1024xf32> -> vector<64x1024xf32>
    %get3A_87 = arith.constant 64 : index
    %get3A_88 = arith.constant 0 : index
    %get3A_89 = vector.load %arg8[%get3A_87, %get3A_88] : memref<2048x1xf32, #tpu.memory_space<vmem>>, vector<64x1xf32>
    %add3A_90 = vector.broadcast %get3A_89 : vector<64x1xf32> to vector<64x1024xf32>
    %add3A_91 = vector.broadcast %get3A_53 : vector<1x1024xf32> to vector<64x1024xf32>
    %add3A_92 = arith.addf %add3A_90, %add3A_91 : vector<64x1024xf32>
    %mul3A_93 = arith.constant 2.000000e+00 : f32
    %mul3A_94 = vector.broadcast %mul3A_93 : f32 to vector<64x1024xf32>
    %mul3A_95 = arith.mulf %mul3A_94, %dot_general3A_86 : vector<64x1024xf32>
    %sub3A_96 = arith.subf %add3A_92, %mul3A_95 : vector<64x1024xf32>
    %max3A_97 = arith.constant 0.000000e+00 : f32
    %max3A_98 = vector.broadcast %max3A_97 : f32 to vector<64x1024xf32>
    %max3A_99 = arith.maximumf %sub3A_96, %max3A_98 : vector<64x1024xf32>
    %rsqrt3A_100 = math.rsqrt %max3A_99 : vector<64x1024xf32>
    %mul3A_101 = arith.mulf %max3A_99, %rsqrt3A_100 : vector<64x1024xf32>
    %reduce_min3A_102 = arith.constant dense<0x7F800000> : vector<64xf32>
    %reduce_min3A_103 = vector.multi_reduction <minimumf>, %mul3A_101, %reduce_min3A_102 [1] : vector<64x1024xf32> to vector<64xf32>
    %broadcast_in_dim3A_104 = vector.shape_cast %reduce_min3A_103 : vector<64xf32> to vector<64x1xf32>
    %eq3A_105 = vector.broadcast %broadcast_in_dim3A_104 : vector<64x1xf32> to vector<64x1024xf32>
    %eq3A_106 = arith.cmpf oeq, %mul3A_101, %eq3A_105 : vector<64x1024xf32>
    %jit3A_107 = arith.constant 1024 : i32
    %broadcast_in_dim3A_108 = vector.broadcast %jit3A_107 : i32 to vector<64x1024xi32>
    %select_n3A_109 = arith.select %eq3A_106, %iota3A, %broadcast_in_dim3A_108 : vector<64x1024xi1>, vector<64x1024xi32>
    %reduce_min3A_110 = arith.constant dense<2147483647> : vector<64xi32>
    %reduce_min3A_111 = vector.multi_reduction <minsi>, %select_n3A_109, %reduce_min3A_110 [1] : vector<64x1024xi32> to vector<64xi32>
    %swap3A_112 = arith.constant 0 : index
    %swap3A_113 = arith.constant 0 : index
    %swap3A_114 = arith.constant 64 : index
    %swap3A_115 = vector.load %arg4[%swap3A_112, %swap3A_113, %swap3A_114] : memref<1x1x2048xi32, #tpu.memory_space<vmem>>, vector<1x1x64xi32>
    %swap3A_116 = vector.shape_cast %swap3A_115 : vector<1x1x64xi32> to vector<64xi32>
    %swap3A_117 = vector.shape_cast %reduce_min3A_111 : vector<64xi32> to vector<1x1x64xi32>
    tpu.vector_store %arg4[%swap3A_112, %swap3A_113, %swap3A_114], %swap3A_117 {strides = array<i32>} : memref<1x1x2048xi32, #tpu.memory_space<vmem>>, vector<1x1x64xi32>,
    %mul3A_118 = arith.mulf %broadcast_in_dim3A_104, %broadcast_in_dim3A_104 : vector<64x1xf32>
    %swap3A_119 = arith.constant 64 : index
    %swap3A_120 = arith.constant 0 : index
    %swap3A_121 = vector.load %arg9[%swap3A_119, %swap3A_120] : memref<2048x1xf32, #tpu.memory_space<vmem>>, vector<64x1xf32>
    tpu.vector_store %arg9[%swap3A_119, %swap3A_120], %mul3A_118 {strides = array<i32>} : memref<2048x1xf32, #tpu.memory_space<vmem>>, vector<64x1xf32>,
    %slice3A_122 = vector.extract_strided_slice %get3A_3 {offsets = [128, 0], sizes = [64, 256], strides = [1, 1]} : vector<2048x256xf32> to vector<64x256xf32>
    %dot_general3A_123 = arith.constant dense<0.000000e+00> : vector<64x1024xf32>
    %dot_general3A_124 = tpu.matmul %slice3A_122, %get3A_50, %dot_general3A_123 {dimension_numbers = #tpu.dot_dimension_numbers<[1], [1], [0], [0], [0, 0, 1, 0], [], []>, transpose_lhs_hint = false} : vector<64x256xf32>, vector<1024x256xf32>, vector<64x1024xf32> -> vector<64x1024xf32>
    %get3A_125 = arith.constant 128 : index
    %get3A_126 = arith.constant 0 : index
    %get3A_127 = vector.load %arg8[%get3A_125, %get3A_126] : memref<2048x1xf32, #tpu.memory_space<vmem>>, vector<64x1xf32>
    %add3A_128 = vector.broadcast %get3A_127 : vector<64x1xf32> to vector<64x1024xf32>
    %add3A_129 = vector.broadcast %get3A_53 : vector<1x1024xf32> to vector<64x1024xf32>
    %add3A_130 = arith.addf %add3A_128, %add3A_129 : vector<64x1024xf32>
    %mul3A_131 = arith.constant 2.000000e+00 : f32
    %mul3A_132 = vector.broadcast %mul3A_131 : f32 to vector<64x1024xf32>
    %mul3A_133 = arith.mulf %mul3A_132, %dot_general3A_124 : vector<64x1024xf32>
    %sub3A_134 = arith.subf %add3A_130, %mul3A_133 : vector<64x1024xf32>
    %max3A_135 = arith.constant 0.000000e+00 : f32
    %max3A_136 = vector.broadcast %max3A_135 : f32 to vector<64x1024xf32>
    %max3A_137 = arith.maximumf %sub3A_134, %max3A_136 : vector<64x1024xf32>
    %rsqrt3A_138 = math.rsqrt %max3A_137 : vector<64x1024xf32>
    %mul3A_139 = arith.mulf %max3A_137, %rsqrt3A_138 : vector<64x1024xf32>
    %reduce_min3A_140 = arith.constant dense<0x7F800000> : vector<64xf32>
    %reduce_min3A_141 = vector.multi_reduction <minimumf>, %mul3A_139, %reduce_min3A_140 [1] : vector<64x1024xf32> to vector<64xf32>
    %broadcast_in_dim3A_142 = vector.shape_cast %reduce_min3A_141 : vector<64xf32> to vector<64x1xf32>
    %eq3A_143 = vector.broadcast %broadcast_in_dim3A_142 : vector<64x1xf32> to vector<64x1024xf32>
    %eq3A_144 = arith.cmpf oeq, %mul3A_139, %eq3A_143 : vector<64x1024xf32>
    %jit3A_145 = arith.constant 1024 : i32
    %broadcast_in_dim3A_146 = vector.broadcast %jit3A_145 : i32 to vector<64x1024xi32>
    %select_n3A_147 = arith.select %eq3A_144, %iota3A, %broadcast_in_dim3A_146 : vector<64x1024xi1>, vector<64x1024xi32>
    %reduce_min3A_148 = arith.constant dense<2147483647> : vector<64xi32>
    %reduce_min3A_149 = vector.multi_reduction <minsi>, %select_n3A_147, %reduce_min3A_148 [1] : vector<64x1024xi32> to vector<64xi32>
    %swap3A_150 = arith.constant 0 : index
    %swap3A_151 = arith.constant 0 : index
    %swap3A_152 = arith.constant 128 : index
    %swap3A_153 = vector.load %arg4[%swap3A_150, %swap3A_151, %swap3A_152] : memref<1x1x2048xi32, #tpu.memory_space<vmem>>, vector<1x1x64xi32>
    %swap3A_154 = vector.shape_cast %swap3A_153 : vector<1x1x64xi32> to vector<64xi32>
    %swap3A_155 = vector.shape_cast %reduce_min3A_149 : vector<64xi32> to vector<1x1x64xi32>
    tpu.vector_store %arg4[%swap3A_150, %swap3A_151, %swap3A_152], %swap3A_155 {strides = array<i32>} : memref<1x1x2048xi32, #tpu.memory_space<vmem>>, vector<1x1x64xi32>,
    %mul3A_156 = arith.mulf %broadcast_in_dim3A_142, %broadcast_in_dim3A_142 : vector<64x1xf32>
    %swap3A_157 = arith.constant 128 : index
    %swap3A_158 = arith.constant 0 : index
    %swap3A_159 = vector.load %arg9[%swap3A_157, %swap3A_158] : memref<2048x1xf32, #tpu.memory_space<vmem>>, vector<64x1xf32>
    tpu.vector_store %arg9[%swap3A_157, %swap3A_158], %mul3A_156 {strides = array<i32>} : memref<2048x1xf32, #tpu.memory_space<vmem>>, vector<64x1xf32>,
    %slice3A_160 = vector.extract_strided_slice %get3A_3 {offsets = [192, 0], sizes = [64, 256], strides = [1, 1]} : vector<2048x256xf32> to vector<64x256xf32>
    %dot_general3A_161 = arith.constant dense<0.000000e+00> : vector<64x1024xf32>
    %dot_general3A_162 = tpu.matmul %slice3A_160, %get3A_50, %dot_general3A_161 {dimension_numbers = #tpu.dot_dimension_numbers<[1], [1], [0], [0], [0, 0, 1, 0], [], []>, transpose_lhs_hint = false} : vector<64x256xf32>, vector<1024x256xf32>, vector<64x1024xf32> -> vector<64x1024xf32>
    %get3A_163 = arith.constant 192 : index
    %get3A_164 = arith.constant 0 : index
    %get3A_165 = vector.load %arg8[%get3A_163, %get3A_164] : memref<2048x1xf32, #tpu.memory_space<vmem>>, vector<64x1xf32>
    %add3A_166 = vector.broadcast %get3A_165 : vector<64x1xf32> to vector<64x1024xf32>
    %add3A_167 = vector.broadcast %get3A_53 : vector<1x1024xf32> to vector<64x1024xf32>
    %add3A_168 = arith.addf %add3A_166, %add3A_167 : vector<64x1024xf32>
    %mul3A_169 = arith.constant 2.000000e+00 : f32
    %mul3A_170 = vector.broadcast %mul3A_169 : f32 to vector<64x1024xf32>
    %mul3A_171 = arith.mulf %mul3A_170, %dot_general3A_162 : vector<64x1024xf32>
    %sub3A_172 = arith.subf %add3A_168, %mul3A_171 : vector<64x1024xf32>
    %max3A_173 = arith.constant 0.000000e+00 : f32
    %max3A_174 = vector.broadcast %max3A_173 : f32 to vector<64x1024xf32>
    %max3A_175 = arith.maximumf %sub3A_172, %max3A_174 : vector<64x1024xf32>
    %rsqrt3A_176 = math.rsqrt %max3A_175 : vector<64x1024xf32>
    %mul3A_177 = arith.mulf %max3A_175, %rsqrt3A_176 : vector<64x1024xf32>
    %reduce_min3A_178 = arith.constant dense<0x7F800000> : vector<64xf32>
    %reduce_min3A_179 = vector.multi_reduction <minimumf>, %mul3A_177, %reduce_min3A_178 [1] : vector<64x1024xf32> to vector<64xf32>
    %broadcast_in_dim3A_180 = vector.shape_cast %reduce_min3A_179 : vector<64xf32> to vector<64x1xf32>
    %eq3A_181 = vector.broadcast %broadcast_in_dim3A_180 : vector<64x1xf32> to vector<64x1024xf32>
    %eq3A_182 = arith.cmpf oeq, %mul3A_177, %eq3A_181 : vector<64x1024xf32>
    %jit3A_183 = arith.constant 1024 : i32
    %broadcast_in_dim3A_184 = vector.broadcast %jit3A_183 : i32 to vector<64x1024xi32>
    %select_n3A_185 = arith.select %eq3A_182, %iota3A, %broadcast_in_dim3A_184 : vector<64x1024xi1>, vector<64x1024xi32>
    %reduce_min3A_186 = arith.constant dense<2147483647> : vector<64xi32>
    %reduce_min3A_187 = vector.multi_reduction <minsi>, %select_n3A_185, %reduce_min3A_186 [1] : vector<64x1024xi32> to vector<64xi32>
    %swap3A_188 = arith.constant 0 : index
    %swap3A_189 = arith.constant 0 : index
    %swap3A_190 = arith.constant 192 : index
    %swap3A_191 = vector.load %arg4[%swap3A_188, %swap3A_189, %swap3A_190] : memref<1x1x2048xi32, #tpu.memory_space<vmem>>, vector<1x1x64xi32>
    %swap3A_192 = vector.shape_cast %swap3A_191 : vector<1x1x64xi32> to vector<64xi32>
    %swap3A_193 = vector.shape_cast %reduce_min3A_187 : vector<64xi32> to vector<1x1x64xi32>
    tpu.vector_store %arg4[%swap3A_188, %swap3A_189, %swap3A_190], %swap3A_193 {strides = array<i32>} : memref<1x1x2048xi32, #tpu.memory_space<vmem>>, vector<1x1x64xi32>,
    %mul3A_194 = arith.mulf %broadcast_in_dim3A_180, %broadcast_in_dim3A_180 : vector<64x1xf32>
    %swap3A_195 = arith.constant 192 : index
    %swap3A_196 = arith.constant 0 : index
    %swap3A_197 = vector.load %arg9[%swap3A_195, %swap3A_196] : memref<2048x1xf32, #tpu.memory_space<vmem>>, vector<64x1xf32>
    tpu.vector_store %arg9[%swap3A_195, %swap3A_196], %mul3A_194 {strides = array<i32>} : memref<2048x1xf32, #tpu.memory_space<vmem>>, vector<64x1xf32>,
    %slice3A_198 = vector.extract_strided_slice %get3A_3 {offsets = [256, 0], sizes = [64, 256], strides = [1, 1]} : vector<2048x256xf32> to vector<64x256xf32>
    %dot_general3A_199 = arith.constant dense<0.000000e+00> : vector<64x1024xf32>
    %dot_general3A_200 = tpu.matmul %slice3A_198, %get3A_50, %dot_general3A_199 {dimension_numbers = #tpu.dot_dimension_numbers<[1], [1], [0], [0], [0, 0, 1, 0], [], []>, transpose_lhs_hint = false} : vector<64x256xf32>, vector<1024x256xf32>, vector<64x1024xf32> -> vector<64x1024xf32>
    %get3A_201 = arith.constant 256 : index
    %get3A_202 = arith.constant 0 : index
    %get3A_203 = vector.load %arg8[%get3A_201, %get3A_202] : memref<2048x1xf32, #tpu.memory_space<vmem>>, vector<64x1xf32>
    %add3A_204 = vector.broadcast %get3A_203 : vector<64x1xf32> to vector<64x1024xf32>
    %add3A_205 = vector.broadcast %get3A_53 : vector<1x1024xf32> to vector<64x1024xf32>
    %add3A_206 = arith.addf %add3A_204, %add3A_205 : vector<64x1024xf32>
    %mul3A_207 = arith.constant 2.000000e+00 : f32
    %mul3A_208 = vector.broadcast %mul3A_207 : f32 to vector<64x1024xf32>
    %mul3A_209 = arith.mulf %mul3A_208, %dot_general3A_200 : vector<64x1024xf32>
    %sub3A_210 = arith.subf %add3A_206, %mul3A_209 : vector<64x1024xf32>
    %max3A_211 = arith.constant 0.000000e+00 : f32
    %max3A_212 = vector.broadcast %max3A_211 : f32 to vector<64x1024xf32>
    %max3A_213 = arith.maximumf %sub3A_210, %max3A_212 : vector<64x1024xf32>
    %rsqrt3A_214 = math.rsqrt %max3A_213 : vector<64x1024xf32>
    %mul3A_215 = arith.mulf %max3A_213, %rsqrt3A_214 : vector<64x1024xf32>
    %reduce_min3A_216 = arith.constant dense<0x7F800000> : vector<64xf32>
    %reduce_min3A_217 = vector.multi_reduction <minimumf>, %mul3A_215, %reduce_min3A_216 [1] : vector<64x1024xf32> to vector<64xf32>
    %broadcast_in_dim3A_218 = vector.shape_cast %reduce_min3A_217 : vector<64xf32> to vector<64x1xf32>
    %eq3A_219 = vector.broadcast %broadcast_in_dim3A_218 : vector<64x1xf32> to vector<64x1024xf32>
    %eq3A_220 = arith.cmpf oeq, %mul3A_215, %eq3A_219 : vector<64x1024xf32>
    %jit3A_221 = arith.constant 1024 : i32
    %broadcast_in_dim3A_222 = vector.broadcast %jit3A_221 : i32 to vector<64x1024xi32>
    %select_n3A_223 = arith.select %eq3A_220, %iota3A, %broadcast_in_dim3A_222 : vector<64x1024xi1>, vector<64x1024xi32>
    %reduce_min3A_224 = arith.constant dense<2147483647> : vector<64xi32>
    %reduce_min3A_225 = vector.multi_reduction <minsi>, %select_n3A_223, %reduce_min3A_224 [1] : vector<64x1024xi32> to vector<64xi32>
    %swap3A_226 = arith.constant 0 : index
    %swap3A_227 = arith.constant 0 : index
    %swap3A_228 = arith.constant 256 : index
    %swap3A_229 = vector.load %arg4[%swap3A_226, %swap3A_227, %swap3A_228] : memref<1x1x2048xi32, #tpu.memory_space<vmem>>, vector<1x1x64xi32>
    %swap3A_230 = vector.shape_cast %swap3A_229 : vector<1x1x64xi32> to vector<64xi32>
    %swap3A_231 = vector.shape_cast %reduce_min3A_225 : vector<64xi32> to vector<1x1x64xi32>
    tpu.vector_store %arg4[%swap3A_226, %swap3A_227, %swap3A_228], %swap3A_231 {strides = array<i32>} : memref<1x1x2048xi32, #tpu.memory_space<vmem>>, vector<1x1x64xi32>,
    %mul3A_232 = arith.mulf %broadcast_in_dim3A_218, %broadcast_in_dim3A_218 : vector<64x1xf32>
    %swap3A_233 = arith.constant 256 : index
    %swap3A_234 = arith.constant 0 : index
    %swap3A_235 = vector.load %arg9[%swap3A_233, %swap3A_234] : memref<2048x1xf32, #tpu.memory_space<vmem>>, vector<64x1xf32>
    tpu.vector_store %arg9[%swap3A_233, %swap3A_234], %mul3A_232 {strides = array<i32>} : memref<2048x1xf32, #tpu.memory_space<vmem>>, vector<64x1xf32>,
    %slice3A_236 = vector.extract_strided_slice %get3A_3 {offsets = [320, 0], sizes = [64, 256], strides = [1, 1]} : vector<2048x256xf32> to vector<64x256xf32>
    %dot_general3A_237 = arith.constant dense<0.000000e+00> : vector<64x1024xf32>
    %dot_general3A_238 = tpu.matmul %slice3A_236, %get3A_50, %dot_general3A_237 {dimension_numbers = #tpu.dot_dimension_numbers<[1], [1], [0], [0], [0, 0, 1, 0], [], []>, transpose_lhs_hint = false} : vector<64x256xf32>, vector<1024x256xf32>, vector<64x1024xf32> -> vector<64x1024xf32>
    %get3A_239 = arith.constant 320 : index
    %get3A_240 = arith.constant 0 : index
    %get3A_241 = vector.load %arg8[%get3A_239, %get3A_240] : memref<2048x1xf32, #tpu.memory_space<vmem>>, vector<64x1xf32>
    %add3A_242 = vector.broadcast %get3A_241 : vector<64x1xf32> to vector<64x1024xf32>
    %add3A_243 = vector.broadcast %get3A_53 : vector<1x1024xf32> to vector<64x1024xf32>
    %add3A_244 = arith.addf %add3A_242, %add3A_243 : vector<64x1024xf32>
    %mul3A_245 = arith.constant 2.000000e+00 : f32
    %mul3A_246 = vector.broadcast %mul3A_245 : f32 to vector<64x1024xf32>
    %mul3A_247 = arith.mulf %mul3A_246, %dot_general3A_238 : vector<64x1024xf32>
    %sub3A_248 = arith.subf %add3A_244, %mul3A_247 : vector<64x1024xf32>
    %max3A_249 = arith.constant 0.000000e+00 : f32
    %max3A_250 = vector.broadcast %max3A_249 : f32 to vector<64x1024xf32>
    %max3A_251 = arith.maximumf %sub3A_248, %max3A_250 : vector<64x1024xf32>
    %rsqrt3A_252 = math.rsqrt %max3A_251 : vector<64x1024xf32>
    %mul3A_253 = arith.mulf %max3A_251, %rsqrt3A_252 : vector<64x1024xf32>
    %reduce_min3A_254 = arith.constant dense<0x7F800000> : vector<64xf32>
    %reduce_min3A_255 = vector.multi_reduction <minimumf>, %mul3A_253, %reduce_min3A_254 [1] : vector<64x1024xf32> to vector<64xf32>
    %broadcast_in_dim3A_256 = vector.shape_cast %reduce_min3A_255 : vector<64xf32> to vector<64x1xf32>
    %eq3A_257 = vector.broadcast %broadcast_in_dim3A_256 : vector<64x1xf32> to vector<64x1024xf32>
    %eq3A_258 = arith.cmpf oeq, %mul3A_253, %eq3A_257 : vector<64x1024xf32>
    %jit3A_259 = arith.constant 1024 : i32
    %broadcast_in_dim3A_260 = vector.broadcast %jit3A_259 : i32 to vector<64x1024xi32>
    %select_n3A_261 = arith.select %eq3A_258, %iota3A, %broadcast_in_dim3A_260 : vector<64x1024xi1>, vector<64x1024xi32>
    %reduce_min3A_262 = arith.constant dense<2147483647> : vector<64xi32>
    %reduce_min3A_263 = vector.multi_reduction <minsi>, %select_n3A_261, %reduce_min3A_262 [1] : vector<64x1024xi32> to vector<64xi32>
    %swap3A_264 = arith.constant 0 : index
    %swap3A_265 = arith.constant 0 : index
    %swap3A_266 = arith.constant 320 : index
    %swap3A_267 = vector.load %arg4[%swap3A_264, %swap3A_265, %swap3A_266] : memref<1x1x2048xi32, #tpu.memory_space<vmem>>, vector<1x1x64xi32>
    %swap3A_268 = vector.shape_cast %swap3A_267 : vector<1x1x64xi32> to vector<64xi32>
    %swap3A_269 = vector.shape_cast %reduce_min3A_263 : vector<64xi32> to vector<1x1x64xi32>
    tpu.vector_store %arg4[%swap3A_264, %swap3A_265, %swap3A_266], %swap3A_269 {strides = array<i32>} : memref<1x1x2048xi32, #tpu.memory_space<vmem>>, vector<1x1x64xi32>,
    %mul3A_270 = arith.mulf %broadcast_in_dim3A_256, %broadcast_in_dim3A_256 : vector<64x1xf32>
    %swap3A_271 = arith.constant 320 : index
    %swap3A_272 = arith.constant 0 : index
    %swap3A_273 = vector.load %arg9[%swap3A_271, %swap3A_272] : memref<2048x1xf32, #tpu.memory_space<vmem>>, vector<64x1xf32>
    tpu.vector_store %arg9[%swap3A_271, %swap3A_272], %mul3A_270 {strides = array<i32>} : memref<2048x1xf32, #tpu.memory_space<vmem>>, vector<64x1xf32>,
    %slice3A_274 = vector.extract_strided_slice %get3A_3 {offsets = [384, 0], sizes = [64, 256], strides = [1, 1]} : vector<2048x256xf32> to vector<64x256xf32>
    %dot_general3A_275 = arith.constant dense<0.000000e+00> : vector<64x1024xf32>
    %dot_general3A_276 = tpu.matmul %slice3A_274, %get3A_50, %dot_general3A_275 {dimension_numbers = #tpu.dot_dimension_numbers<[1], [1], [0], [0], [0, 0, 1, 0], [], []>, transpose_lhs_hint = false} : vector<64x256xf32>, vector<1024x256xf32>, vector<64x1024xf32> -> vector<64x1024xf32>
    %get3A_277 = arith.constant 384 : index
    %get3A_278 = arith.constant 0 : index
    %get3A_279 = vector.load %arg8[%get3A_277, %get3A_278] : memref<2048x1xf32, #tpu.memory_space<vmem>>, vector<64x1xf32>
    %add3A_280 = vector.broadcast %get3A_279 : vector<64x1xf32> to vector<64x1024xf32>
    %add3A_281 = vector.broadcast %get3A_53 : vector<1x1024xf32> to vector<64x1024xf32>
    %add3A_282 = arith.addf %add3A_280, %add3A_281 : vector<64x1024xf32>
    %mul3A_283 = arith.constant 2.000000e+00 : f32
    %mul3A_284 = vector.broadcast %mul3A_283 : f32 to vector<64x1024xf32>
    %mul3A_285 = arith.mulf %mul3A_284, %dot_general3A_276 : vector<64x1024xf32>
    %sub3A_286 = arith.subf %add3A_282, %mul3A_285 : vector<64x1024xf32>
    %max3A_287 = arith.constant 0.000000e+00 : f32
    %max3A_288 = vector.broadcast %max3A_287 : f32 to vector<64x1024xf32>
    %max3A_289 = arith.maximumf %sub3A_286, %max3A_288 : vector<64x1024xf32>
    %rsqrt3A_290 = math.rsqrt %max3A_289 : vector<64x1024xf32>
    %mul3A_291 = arith.mulf %max3A_289, %rsqrt3A_290 : vector<64x1024xf32>
    %reduce_min3A_292 = arith.constant dense<0x7F800000> : vector<64xf32>
    %reduce_min3A_293 = vector.multi_reduction <minimumf>, %mul3A_291, %reduce_min3A_292 [1] : vector<64x1024xf32> to vector<64xf32>
    %broadcast_in_dim3A_294 = vector.shape_cast %reduce_min3A_293 : vector<64xf32> to vector<64x1xf32>
    %eq3A_295 = vector.broadcast %broadcast_in_dim3A_294 : vector<64x1xf32> to vector<64x1024xf32>
    %eq3A_296 = arith.cmpf oeq, %mul3A_291, %eq3A_295 : vector<64x1024xf32>
    %jit3A_297 = arith.constant 1024 : i32
    %broadcast_in_dim3A_298 = vector.broadcast %jit3A_297 : i32 to vector<64x1024xi32>
    %select_n3A_299 = arith.select %eq3A_296, %iota3A, %broadcast_in_dim3A_298 : vector<64x1024xi1>, vector<64x1024xi32>
    %reduce_min3A_300 = arith.constant dense<2147483647> : vector<64xi32>
    %reduce_min3A_301 = vector.multi_reduction <minsi>, %select_n3A_299, %reduce_min3A_300 [1] : vector<64x1024xi32> to vector<64xi32>
    %swap3A_302 = arith.constant 0 : index
    %swap3A_303 = arith.constant 0 : index
    %swap3A_304 = arith.constant 384 : index
    %swap3A_305 = vector.load %arg4[%swap3A_302, %swap3A_303, %swap3A_304] : memref<1x1x2048xi32, #tpu.memory_space<vmem>>, vector<1x1x64xi32>
    %swap3A_306 = vector.shape_cast %swap3A_305 : vector<1x1x64xi32> to vector<64xi32>
    %swap3A_307 = vector.shape_cast %reduce_min3A_301 : vector<64xi32> to vector<1x1x64xi32>
    tpu.vector_store %arg4[%swap3A_302, %swap3A_303, %swap3A_304], %swap3A_307 {strides = array<i32>} : memref<1x1x2048xi32, #tpu.memory_space<vmem>>, vector<1x1x64xi32>,
    %mul3A_308 = arith.mulf %broadcast_in_dim3A_294, %broadcast_in_dim3A_294 : vector<64x1xf32>
    %swap3A_309 = arith.constant 384 : index
    %swap3A_310 = arith.constant 0 : index
    %swap3A_311 = vector.load %arg9[%swap3A_309, %swap3A_310] : memref<2048x1xf32, #tpu.memory_space<vmem>>, vector<64x1xf32>
    tpu.vector_store %arg9[%swap3A_309, %swap3A_310], %mul3A_308 {strides = array<i32>} : memref<2048x1xf32, #tpu.memory_space<vmem>>, vector<64x1xf32>,
    %slice3A_312 = vector.extract_strided_slice %get3A_3 {offsets = [448, 0], sizes = [64, 256], strides = [1, 1]} : vector<2048x256xf32> to vector<64x256xf32>
    %dot_general3A_313 = arith.constant dense<0.000000e+00> : vector<64x1024xf32>
    %dot_general3A_314 = tpu.matmul %slice3A_312, %get3A_50, %dot_general3A_313 {dimension_numbers = #tpu.dot_dimension_numbers<[1], [1], [0], [0], [0, 0, 1, 0], [], []>, transpose_lhs_hint = false} : vector<64x256xf32>, vector<1024x256xf32>, vector<64x1024xf32> -> vector<64x1024xf32>
    %get3A_315 = arith.constant 448 : index
    %get3A_316 = arith.constant 0 : index
    %get3A_317 = vector.load %arg8[%get3A_315, %get3A_316] : memref<2048x1xf32, #tpu.memory_space<vmem>>, vector<64x1xf32>
    %add3A_318 = vector.broadcast %get3A_317 : vector<64x1xf32> to vector<64x1024xf32>
    %add3A_319 = vector.broadcast %get3A_53 : vector<1x1024xf32> to vector<64x1024xf32>
    %add3A_320 = arith.addf %add3A_318, %add3A_319 : vector<64x1024xf32>
    %mul3A_321 = arith.constant 2.000000e+00 : f32
    %mul3A_322 = vector.broadcast %mul3A_321 : f32 to vector<64x1024xf32>
    %mul3A_323 = arith.mulf %mul3A_322, %dot_general3A_314 : vector<64x1024xf32>
    %sub3A_324 = arith.subf %add3A_320, %mul3A_323 : vector<64x1024xf32>
    %max3A_325 = arith.constant 0.000000e+00 : f32
    %max3A_326 = vector.broadcast %max3A_325 : f32 to vector<64x1024xf32>
    %max3A_327 = arith.maximumf %sub3A_324, %max3A_326 : vector<64x1024xf32>
    %rsqrt3A_328 = math.rsqrt %max3A_327 : vector<64x1024xf32>
    %mul3A_329 = arith.mulf %max3A_327, %rsqrt3A_328 : vector<64x1024xf32>
    %reduce_min3A_330 = arith.constant dense<0x7F800000> : vector<64xf32>
    %reduce_min3A_331 = vector.multi_reduction <minimumf>, %mul3A_329, %reduce_min3A_330 [1] : vector<64x1024xf32> to vector<64xf32>
    %broadcast_in_dim3A_332 = vector.shape_cast %reduce_min3A_331 : vector<64xf32> to vector<64x1xf32>
    %eq3A_333 = vector.broadcast %broadcast_in_dim3A_332 : vector<64x1xf32> to vector<64x1024xf32>
    %eq3A_334 = arith.cmpf oeq, %mul3A_329, %eq3A_333 : vector<64x1024xf32>
    %jit3A_335 = arith.constant 1024 : i32
    %broadcast_in_dim3A_336 = vector.broadcast %jit3A_335 : i32 to vector<64x1024xi32>
    %select_n3A_337 = arith.select %eq3A_334, %iota3A, %broadcast_in_dim3A_336 : vector<64x1024xi1>, vector<64x1024xi32>
    %reduce_min3A_338 = arith.constant dense<2147483647> : vector<64xi32>
    %reduce_min3A_339 = vector.multi_reduction <minsi>, %select_n3A_337, %reduce_min3A_338 [1] : vector<64x1024xi32> to vector<64xi32>
    %swap3A_340 = arith.constant 0 : index
    %swap3A_341 = arith.constant 0 : index
    %swap3A_342 = arith.constant 448 : index
    %swap3A_343 = vector.load %arg4[%swap3A_340, %swap3A_341, %swap3A_342] : memref<1x1x2048xi32, #tpu.memory_space<vmem>>, vector<1x1x64xi32>
    %swap3A_344 = vector.shape_cast %swap3A_343 : vector<1x1x64xi32> to vector<64xi32>
    %swap3A_345 = vector.shape_cast %reduce_min3A_339 : vector<64xi32> to vector<1x1x64xi32>
    tpu.vector_store %arg4[%swap3A_340, %swap3A_341, %swap3A_342], %swap3A_345 {strides = array<i32>} : memref<1x1x2048xi32, #tpu.memory_space<vmem>>, vector<1x1x64xi32>,
    %mul3A_346 = arith.mulf %broadcast_in_dim3A_332, %broadcast_in_dim3A_332 : vector<64x1xf32>
    %swap3A_347 = arith.constant 448 : index
    %swap3A_348 = arith.constant 0 : index
    %swap3A_349 = vector.load %arg9[%swap3A_347, %swap3A_348] : memref<2048x1xf32, #tpu.memory_space<vmem>>, vector<64x1xf32>
    tpu.vector_store %arg9[%swap3A_347, %swap3A_348], %mul3A_346 {strides = array<i32>} : memref<2048x1xf32, #tpu.memory_space<vmem>>, vector<64x1xf32>,
    %slice3A_350 = vector.extract_strided_slice %get3A_3 {offsets = [512, 0], sizes = [64, 256], strides = [1, 1]} : vector<2048x256xf32> to vector<64x256xf32>
    %dot_general3A_351 = arith.constant dense<0.000000e+00> : vector<64x1024xf32>
    %dot_general3A_352 = tpu.matmul %slice3A_350, %get3A_50, %dot_general3A_351 {dimension_numbers = #tpu.dot_dimension_numbers<[1], [1], [0], [0], [0, 0, 1, 0], [], []>, transpose_lhs_hint = false} : vector<64x256xf32>, vector<1024x256xf32>, vector<64x1024xf32> -> vector<64x1024xf32>
    %get3A_353 = arith.constant 512 : index
    %get3A_354 = arith.constant 0 : index
    %get3A_355 = vector.load %arg8[%get3A_353, %get3A_354] : memref<2048x1xf32, #tpu.memory_space<vmem>>, vector<64x1xf32>
    %add3A_356 = vector.broadcast %get3A_355 : vector<64x1xf32> to vector<64x1024xf32>
    %add3A_357 = vector.broadcast %get3A_53 : vector<1x1024xf32> to vector<64x1024xf32>
    %add3A_358 = arith.addf %add3A_356, %add3A_357 : vector<64x1024xf32>
    %mul3A_359 = arith.constant 2.000000e+00 : f32
    %mul3A_360 = vector.broadcast %mul3A_359 : f32 to vector<64x1024xf32>
    %mul3A_361 = arith.mulf %mul3A_360, %dot_general3A_352 : vector<64x1024xf32>
    %sub3A_362 = arith.subf %add3A_358, %mul3A_361 : vector<64x1024xf32>
    %max3A_363 = arith.constant 0.000000e+00 : f32
    %max3A_364 = vector.broadcast %max3A_363 : f32 to vector<64x1024xf32>
    %max3A_365 = arith.maximumf %sub3A_362, %max3A_364 : vector<64x1024xf32>
    %rsqrt3A_366 = math.rsqrt %max3A_365 : vector<64x1024xf32>
    %mul3A_367 = arith.mulf %max3A_365, %rsqrt3A_366 : vector<64x1024xf32>
    %reduce_min3A_368 = arith.constant dense<0x7F800000> : vector<64xf32>
    %reduce_min3A_369 = vector.multi_reduction <minimumf>, %mul3A_367, %reduce_min3A_368 [1] : vector<64x1024xf32> to vector<64xf32>
    %broadcast_in_dim3A_370 = vector.shape_cast %reduce_min3A_369 : vector<64xf32> to vector<64x1xf32>
    %eq3A_371 = vector.broadcast %broadcast_in_dim3A_370 : vector<64x1xf32> to vector<64x1024xf32>
    %eq3A_372 = arith.cmpf oeq, %mul3A_367, %eq3A_371 : vector<64x1024xf32>
    %jit3A_373 = arith.constant 1024 : i32
    %broadcast_in_dim3A_374 = vector.broadcast %jit3A_373 : i32 to vector<64x1024xi32>
    %select_n3A_375 = arith.select %eq3A_372, %iota3A, %broadcast_in_dim3A_374 : vector<64x1024xi1>, vector<64x1024xi32>
    %reduce_min3A_376 = arith.constant dense<2147483647> : vector<64xi32>
    %reduce_min3A_377 = vector.multi_reduction <minsi>, %select_n3A_375, %reduce_min3A_376 [1] : vector<64x1024xi32> to vector<64xi32>
    %swap3A_378 = arith.constant 0 : index
    %swap3A_379 = arith.constant 0 : index
    %swap3A_380 = arith.constant 512 : index
    %swap3A_381 = vector.load %arg4[%swap3A_378, %swap3A_379, %swap3A_380] : memref<1x1x2048xi32, #tpu.memory_space<vmem>>, vector<1x1x64xi32>
    %swap3A_382 = vector.shape_cast %swap3A_381 : vector<1x1x64xi32> to vector<64xi32>
    %swap3A_383 = vector.shape_cast %reduce_min3A_377 : vector<64xi32> to vector<1x1x64xi32>
    tpu.vector_store %arg4[%swap3A_378, %swap3A_379, %swap3A_380], %swap3A_383 {strides = array<i32>} : memref<1x1x2048xi32, #tpu.memory_space<vmem>>, vector<1x1x64xi32>,
    %mul3A_384 = arith.mulf %broadcast_in_dim3A_370, %broadcast_in_dim3A_370 : vector<64x1xf32>
    %swap3A_385 = arith.constant 512 : index
    %swap3A_386 = arith.constant 0 : index
    %swap3A_387 = vector.load %arg9[%swap3A_385, %swap3A_386] : memref<2048x1xf32, #tpu.memory_space<vmem>>, vector<64x1xf32>
    tpu.vector_store %arg9[%swap3A_385, %swap3A_386], %mul3A_384 {strides = array<i32>} : memref<2048x1xf32, #tpu.memory_space<vmem>>, vector<64x1xf32>,
    %slice3A_388 = vector.extract_strided_slice %get3A_3 {offsets = [576, 0], sizes = [64, 256], strides = [1, 1]} : vector<2048x256xf32> to vector<64x256xf32>
    %dot_general3A_389 = arith.constant dense<0.000000e+00> : vector<64x1024xf32>
    %dot_general3A_390 = tpu.matmul %slice3A_388, %get3A_50, %dot_general3A_389 {dimension_numbers = #tpu.dot_dimension_numbers<[1], [1], [0], [0], [0, 0, 1, 0], [], []>, transpose_lhs_hint = false} : vector<64x256xf32>, vector<1024x256xf32>, vector<64x1024xf32> -> vector<64x1024xf32>
    %get3A_391 = arith.constant 576 : index
    %get3A_392 = arith.constant 0 : index
    %get3A_393 = vector.load %arg8[%get3A_391, %get3A_392] : memref<2048x1xf32, #tpu.memory_space<vmem>>, vector<64x1xf32>
    %add3A_394 = vector.broadcast %get3A_393 : vector<64x1xf32> to vector<64x1024xf32>
    %add3A_395 = vector.broadcast %get3A_53 : vector<1x1024xf32> to vector<64x1024xf32>
    %add3A_396 = arith.addf %add3A_394, %add3A_395 : vector<64x1024xf32>
    %mul3A_397 = arith.constant 2.000000e+00 : f32
    %mul3A_398 = vector.broadcast %mul3A_397 : f32 to vector<64x1024xf32>
    %mul3A_399 = arith.mulf %mul3A_398, %dot_general3A_390 : vector<64x1024xf32>
    %sub3A_400 = arith.subf %add3A_396, %mul3A_399 : vector<64x1024xf32>
    %max3A_401 = arith.constant 0.000000e+00 : f32
    %max3A_402 = vector.broadcast %max3A_401 : f32 to vector<64x1024xf32>
    %max3A_403 = arith.maximumf %sub3A_400, %max3A_402 : vector<64x1024xf32>
    %rsqrt3A_404 = math.rsqrt %max3A_403 : vector<64x1024xf32>
    %mul3A_405 = arith.mulf %max3A_403, %rsqrt3A_404 : vector<64x1024xf32>
    %reduce_min3A_406 = arith.constant dense<0x7F800000> : vector<64xf32>
    %reduce_min3A_407 = vector.multi_reduction <minimumf>, %mul3A_405, %reduce_min3A_406 [1] : vector<64x1024xf32> to vector<64xf32>
    %broadcast_in_dim3A_408 = vector.shape_cast %reduce_min3A_407 : vector<64xf32> to vector<64x1xf32>
    %eq3A_409 = vector.broadcast %broadcast_in_dim3A_408 : vector<64x1xf32> to vector<64x1024xf32>
    %eq3A_410 = arith.cmpf oeq, %mul3A_405, %eq3A_409 : vector<64x1024xf32>
    %jit3A_411 = arith.constant 1024 : i32
    %broadcast_in_dim3A_412 = vector.broadcast %jit3A_411 : i32 to vector<64x1024xi32>
    %select_n3A_413 = arith.select %eq3A_410, %iota3A, %broadcast_in_dim3A_412 : vector<64x1024xi1>, vector<64x1024xi32>
    %reduce_min3A_414 = arith.constant dense<2147483647> : vector<64xi32>
    %reduce_min3A_415 = vector.multi_reduction <minsi>, %select_n3A_413, %reduce_min3A_414 [1] : vector<64x1024xi32> to vector<64xi32>
    %swap3A_416 = arith.constant 0 : index
    %swap3A_417 = arith.constant 0 : index
    %swap3A_418 = arith.constant 576 : index
    %swap3A_419 = vector.load %arg4[%swap3A_416, %swap3A_417, %swap3A_418] : memref<1x1x2048xi32, #tpu.memory_space<vmem>>, vector<1x1x64xi32>
    %swap3A_420 = vector.shape_cast %swap3A_419 : vector<1x1x64xi32> to vector<64xi32>
    %swap3A_421 = vector.shape_cast %reduce_min3A_415 : vector<64xi32> to vector<1x1x64xi32>
    tpu.vector_store %arg4[%swap3A_416, %swap3A_417, %swap3A_418], %swap3A_421 {strides = array<i32>} : memref<1x1x2048xi32, #tpu.memory_space<vmem>>, vector<1x1x64xi32>,
    %mul3A_422 = arith.mulf %broadcast_in_dim3A_408, %broadcast_in_dim3A_408 : vector<64x1xf32>
    %swap3A_423 = arith.constant 576 : index
    %swap3A_424 = arith.constant 0 : index
    %swap3A_425 = vector.load %arg9[%swap3A_423, %swap3A_424] : memref<2048x1xf32, #tpu.memory_space<vmem>>, vector<64x1xf32>
    tpu.vector_store %arg9[%swap3A_423, %swap3A_424], %mul3A_422 {strides = array<i32>} : memref<2048x1xf32, #tpu.memory_space<vmem>>, vector<64x1xf32>,
    %slice3A_426 = vector.extract_strided_slice %get3A_3 {offsets = [640, 0], sizes = [64, 256], strides = [1, 1]} : vector<2048x256xf32> to vector<64x256xf32>
    %dot_general3A_427 = arith.constant dense<0.000000e+00> : vector<64x1024xf32>
    %dot_general3A_428 = tpu.matmul %slice3A_426, %get3A_50, %dot_general3A_427 {dimension_numbers = #tpu.dot_dimension_numbers<[1], [1], [0], [0], [0, 0, 1, 0], [], []>, transpose_lhs_hint = false} : vector<64x256xf32>, vector<1024x256xf32>, vector<64x1024xf32> -> vector<64x1024xf32>
    %get3A_429 = arith.constant 640 : index
    %get3A_430 = arith.constant 0 : index
    %get3A_431 = vector.load %arg8[%get3A_429, %get3A_430] : memref<2048x1xf32, #tpu.memory_space<vmem>>, vector<64x1xf32>
    %add3A_432 = vector.broadcast %get3A_431 : vector<64x1xf32> to vector<64x1024xf32>
    %add3A_433 = vector.broadcast %get3A_53 : vector<1x1024xf32> to vector<64x1024xf32>
    %add3A_434 = arith.addf %add3A_432, %add3A_433 : vector<64x1024xf32>
    %mul3A_435 = arith.constant 2.000000e+00 : f32
    %mul3A_436 = vector.broadcast %mul3A_435 : f32 to vector<64x1024xf32>
    %mul3A_437 = arith.mulf %mul3A_436, %dot_general3A_428 : vector<64x1024xf32>
    %sub3A_438 = arith.subf %add3A_434, %mul3A_437 : vector<64x1024xf32>
    %max3A_439 = arith.constant 0.000000e+00 : f32
    %max3A_440 = vector.broadcast %max3A_439 : f32 to vector<64x1024xf32>
    %max3A_441 = arith.maximumf %sub3A_438, %max3A_440 : vector<64x1024xf32>
    %rsqrt3A_442 = math.rsqrt %max3A_441 : vector<64x1024xf32>
    %mul3A_443 = arith.mulf %max3A_441, %rsqrt3A_442 : vector<64x1024xf32>
    %reduce_min3A_444 = arith.constant dense<0x7F800000> : vector<64xf32>
    %reduce_min3A_445 = vector.multi_reduction <minimumf>, %mul3A_443, %reduce_min3A_444 [1] : vector<64x1024xf32> to vector<64xf32>
    %broadcast_in_dim3A_446 = vector.shape_cast %reduce_min3A_445 : vector<64xf32> to vector<64x1xf32>
    %eq3A_447 = vector.broadcast %broadcast_in_dim3A_446 : vector<64x1xf32> to vector<64x1024xf32>
    %eq3A_448 = arith.cmpf oeq, %mul3A_443, %eq3A_447 : vector<64x1024xf32>
    %jit3A_449 = arith.constant 1024 : i32
    %broadcast_in_dim3A_450 = vector.broadcast %jit3A_449 : i32 to vector<64x1024xi32>
    %select_n3A_451 = arith.select %eq3A_448, %iota3A, %broadcast_in_dim3A_450 : vector<64x1024xi1>, vector<64x1024xi32>
    %reduce_min3A_452 = arith.constant dense<2147483647> : vector<64xi32>
    %reduce_min3A_453 = vector.multi_reduction <minsi>, %select_n3A_451, %reduce_min3A_452 [1] : vector<64x1024xi32> to vector<64xi32>
    %swap3A_454 = arith.constant 0 : index
    %swap3A_455 = arith.constant 0 : index
    %swap3A_456 = arith.constant 640 : index
    %swap3A_457 = vector.load %arg4[%swap3A_454, %swap3A_455, %swap3A_456] : memref<1x1x2048xi32, #tpu.memory_space<vmem>>, vector<1x1x64xi32>
    %swap3A_458 = vector.shape_cast %swap3A_457 : vector<1x1x64xi32> to vector<64xi32>
    %swap3A_459 = vector.shape_cast %reduce_min3A_453 : vector<64xi32> to vector<1x1x64xi32>
    tpu.vector_store %arg4[%swap3A_454, %swap3A_455, %swap3A_456], %swap3A_459 {strides = array<i32>} : memref<1x1x2048xi32, #tpu.memory_space<vmem>>, vector<1x1x64xi32>,
    %mul3A_460 = arith.mulf %broadcast_in_dim3A_446, %broadcast_in_dim3A_446 : vector<64x1xf32>
    %swap3A_461 = arith.constant 640 : index
    %swap3A_462 = arith.constant 0 : index
    %swap3A_463 = vector.load %arg9[%swap3A_461, %swap3A_462] : memref<2048x1xf32, #tpu.memory_space<vmem>>, vector<64x1xf32>
    tpu.vector_store %arg9[%swap3A_461, %swap3A_462], %mul3A_460 {strides = array<i32>} : memref<2048x1xf32, #tpu.memory_space<vmem>>, vector<64x1xf32>,
    %slice3A_464 = vector.extract_strided_slice %get3A_3 {offsets = [704, 0], sizes = [64, 256], strides = [1, 1]} : vector<2048x256xf32> to vector<64x256xf32>
    %dot_general3A_465 = arith.constant dense<0.000000e+00> : vector<64x1024xf32>
    %dot_general3A_466 = tpu.matmul %slice3A_464, %get3A_50, %dot_general3A_465 {dimension_numbers = #tpu.dot_dimension_numbers<[1], [1], [0], [0], [0, 0, 1, 0], [], []>, transpose_lhs_hint = false} : vector<64x256xf32>, vector<1024x256xf32>, vector<64x1024xf32> -> vector<64x1024xf32>
    %get3A_467 = arith.constant 704 : index
    %get3A_468 = arith.constant 0 : index
    %get3A_469 = vector.load %arg8[%get3A_467, %get3A_468] : memref<2048x1xf32, #tpu.memory_space<vmem>>, vector<64x1xf32>
    %add3A_470 = vector.broadcast %get3A_469 : vector<64x1xf32> to vector<64x1024xf32>
    %add3A_471 = vector.broadcast %get3A_53 : vector<1x1024xf32> to vector<64x1024xf32>
    %add3A_472 = arith.addf %add3A_470, %add3A_471 : vector<64x1024xf32>
    %mul3A_473 = arith.constant 2.000000e+00 : f32
    %mul3A_474 = vector.broadcast %mul3A_473 : f32 to vector<64x1024xf32>
    %mul3A_475 = arith.mulf %mul3A_474, %dot_general3A_466 : vector<64x1024xf32>
    %sub3A_476 = arith.subf %add3A_472, %mul3A_475 : vector<64x1024xf32>
    %max3A_477 = arith.constant 0.000000e+00 : f32
    %max3A_478 = vector.broadcast %max3A_477 : f32 to vector<64x1024xf32>
    %max3A_479 = arith.maximumf %sub3A_476, %max3A_478 : vector<64x1024xf32>
    %rsqrt3A_480 = math.rsqrt %max3A_479 : vector<64x1024xf32>
    %mul3A_481 = arith.mulf %max3A_479, %rsqrt3A_480 : vector<64x1024xf32>
    %reduce_min3A_482 = arith.constant dense<0x7F800000> : vector<64xf32>
    %reduce_min3A_483 = vector.multi_reduction <minimumf>, %mul3A_481, %reduce_min3A_482 [1] : vector<64x1024xf32> to vector<64xf32>
    %broadcast_in_dim3A_484 = vector.shape_cast %reduce_min3A_483 : vector<64xf32> to vector<64x1xf32>
    %eq3A_485 = vector.broadcast %broadcast_in_dim3A_484 : vector<64x1xf32> to vector<64x1024xf32>
    %eq3A_486 = arith.cmpf oeq, %mul3A_481, %eq3A_485 : vector<64x1024xf32>
    %jit3A_487 = arith.constant 1024 : i32
    %broadcast_in_dim3A_488 = vector.broadcast %jit3A_487 : i32 to vector<64x1024xi32>
    %select_n3A_489 = arith.select %eq3A_486, %iota3A, %broadcast_in_dim3A_488 : vector<64x1024xi1>, vector<64x1024xi32>
    %reduce_min3A_490 = arith.constant dense<2147483647> : vector<64xi32>
    %reduce_min3A_491 = vector.multi_reduction <minsi>, %select_n3A_489, %reduce_min3A_490 [1] : vector<64x1024xi32> to vector<64xi32>
    %swap3A_492 = arith.constant 0 : index
    %swap3A_493 = arith.constant 0 : index
    %swap3A_494 = arith.constant 704 : index
    %swap3A_495 = vector.load %arg4[%swap3A_492, %swap3A_493, %swap3A_494] : memref<1x1x2048xi32, #tpu.memory_space<vmem>>, vector<1x1x64xi32>
    %swap3A_496 = vector.shape_cast %swap3A_495 : vector<1x1x64xi32> to vector<64xi32>
    %swap3A_497 = vector.shape_cast %reduce_min3A_491 : vector<64xi32> to vector<1x1x64xi32>
    tpu.vector_store %arg4[%swap3A_492, %swap3A_493, %swap3A_494], %swap3A_497 {strides = array<i32>} : memref<1x1x2048xi32, #tpu.memory_space<vmem>>, vector<1x1x64xi32>,
    %mul3A_498 = arith.mulf %broadcast_in_dim3A_484, %broadcast_in_dim3A_484 : vector<64x1xf32>
    %swap3A_499 = arith.constant 704 : index
    %swap3A_500 = arith.constant 0 : index
    %swap3A_501 = vector.load %arg9[%swap3A_499, %swap3A_500] : memref<2048x1xf32, #tpu.memory_space<vmem>>, vector<64x1xf32>
    tpu.vector_store %arg9[%swap3A_499, %swap3A_500], %mul3A_498 {strides = array<i32>} : memref<2048x1xf32, #tpu.memory_space<vmem>>, vector<64x1xf32>,
    %slice3A_502 = vector.extract_strided_slice %get3A_3 {offsets = [768, 0], sizes = [64, 256], strides = [1, 1]} : vector<2048x256xf32> to vector<64x256xf32>
    %dot_general3A_503 = arith.constant dense<0.000000e+00> : vector<64x1024xf32>
    %dot_general3A_504 = tpu.matmul %slice3A_502, %get3A_50, %dot_general3A_503 {dimension_numbers = #tpu.dot_dimension_numbers<[1], [1], [0], [0], [0, 0, 1, 0], [], []>, transpose_lhs_hint = false} : vector<64x256xf32>, vector<1024x256xf32>, vector<64x1024xf32> -> vector<64x1024xf32>
    %get3A_505 = arith.constant 768 : index
    %get3A_506 = arith.constant 0 : index
    %get3A_507 = vector.load %arg8[%get3A_505, %get3A_506] : memref<2048x1xf32, #tpu.memory_space<vmem>>, vector<64x1xf32>
    %add3A_508 = vector.broadcast %get3A_507 : vector<64x1xf32> to vector<64x1024xf32>
    %add3A_509 = vector.broadcast %get3A_53 : vector<1x1024xf32> to vector<64x1024xf32>
    %add3A_510 = arith.addf %add3A_508, %add3A_509 : vector<64x1024xf32>
    %mul3A_511 = arith.constant 2.000000e+00 : f32
    %mul3A_512 = vector.broadcast %mul3A_511 : f32 to vector<64x1024xf32>
    %mul3A_513 = arith.mulf %mul3A_512, %dot_general3A_504 : vector<64x1024xf32>
    %sub3A_514 = arith.subf %add3A_510, %mul3A_513 : vector<64x1024xf32>
    %max3A_515 = arith.constant 0.000000e+00 : f32
    %max3A_516 = vector.broadcast %max3A_515 : f32 to vector<64x1024xf32>
    %max3A_517 = arith.maximumf %sub3A_514, %max3A_516 : vector<64x1024xf32>
    %rsqrt3A_518 = math.rsqrt %max3A_517 : vector<64x1024xf32>
    %mul3A_519 = arith.mulf %max3A_517, %rsqrt3A_518 : vector<64x1024xf32>
    %reduce_min3A_520 = arith.constant dense<0x7F800000> : vector<64xf32>
    %reduce_min3A_521 = vector.multi_reduction <minimumf>, %mul3A_519, %reduce_min3A_520 [1] : vector<64x1024xf32> to vector<64xf32>
    %broadcast_in_dim3A_522 = vector.shape_cast %reduce_min3A_521 : vector<64xf32> to vector<64x1xf32>
    %eq3A_523 = vector.broadcast %broadcast_in_dim3A_522 : vector<64x1xf32> to vector<64x1024xf32>
    %eq3A_524 = arith.cmpf oeq, %mul3A_519, %eq3A_523 : vector<64x1024xf32>
    %jit3A_525 = arith.constant 1024 : i32
    %broadcast_in_dim3A_526 = vector.broadcast %jit3A_525 : i32 to vector<64x1024xi32>
    %select_n3A_527 = arith.select %eq3A_524, %iota3A, %broadcast_in_dim3A_526 : vector<64x1024xi1>, vector<64x1024xi32>
    %reduce_min3A_528 = arith.constant dense<2147483647> : vector<64xi32>
    %reduce_min3A_529 = vector.multi_reduction <minsi>, %select_n3A_527, %reduce_min3A_528 [1] : vector<64x1024xi32> to vector<64xi32>
    %swap3A_530 = arith.constant 0 : index
    %swap3A_531 = arith.constant 0 : index
    %swap3A_532 = arith.constant 768 : index
    %swap3A_533 = vector.load %arg4[%swap3A_530, %swap3A_531, %swap3A_532] : memref<1x1x2048xi32, #tpu.memory_space<vmem>>, vector<1x1x64xi32>
    %swap3A_534 = vector.shape_cast %swap3A_533 : vector<1x1x64xi32> to vector<64xi32>
    %swap3A_535 = vector.shape_cast %reduce_min3A_529 : vector<64xi32> to vector<1x1x64xi32>
    tpu.vector_store %arg4[%swap3A_530, %swap3A_531, %swap3A_532], %swap3A_535 {strides = array<i32>} : memref<1x1x2048xi32, #tpu.memory_space<vmem>>, vector<1x1x64xi32>,
    %mul3A_536 = arith.mulf %broadcast_in_dim3A_522, %broadcast_in_dim3A_522 : vector<64x1xf32>
    %swap3A_537 = arith.constant 768 : index
    %swap3A_538 = arith.constant 0 : index
    %swap3A_539 = vector.load %arg9[%swap3A_537, %swap3A_538] : memref<2048x1xf32, #tpu.memory_space<vmem>>, vector<64x1xf32>
    tpu.vector_store %arg9[%swap3A_537, %swap3A_538], %mul3A_536 {strides = array<i32>} : memref<2048x1xf32, #tpu.memory_space<vmem>>, vector<64x1xf32>,
    %slice3A_540 = vector.extract_strided_slice %get3A_3 {offsets = [832, 0], sizes = [64, 256], strides = [1, 1]} : vector<2048x256xf32> to vector<64x256xf32>
    %dot_general3A_541 = arith.constant dense<0.000000e+00> : vector<64x1024xf32>
    %dot_general3A_542 = tpu.matmul %slice3A_540, %get3A_50, %dot_general3A_541 {dimension_numbers = #tpu.dot_dimension_numbers<[1], [1], [0], [0], [0, 0, 1, 0], [], []>, transpose_lhs_hint = false} : vector<64x256xf32>, vector<1024x256xf32>, vector<64x1024xf32> -> vector<64x1024xf32>
    %get3A_543 = arith.constant 832 : index
    %get3A_544 = arith.constant 0 : index
    %get3A_545 = vector.load %arg8[%get3A_543, %get3A_544] : memref<2048x1xf32, #tpu.memory_space<vmem>>, vector<64x1xf32>
    %add3A_546 = vector.broadcast %get3A_545 : vector<64x1xf32> to vector<64x1024xf32>
    %add3A_547 = vector.broadcast %get3A_53 : vector<1x1024xf32> to vector<64x1024xf32>
    %add3A_548 = arith.addf %add3A_546, %add3A_547 : vector<64x1024xf32>
    %mul3A_549 = arith.constant 2.000000e+00 : f32
    %mul3A_550 = vector.broadcast %mul3A_549 : f32 to vector<64x1024xf32>
    %mul3A_551 = arith.mulf %mul3A_550, %dot_general3A_542 : vector<64x1024xf32>
    %sub3A_552 = arith.subf %add3A_548, %mul3A_551 : vector<64x1024xf32>
    %max3A_553 = arith.constant 0.000000e+00 : f32
    %max3A_554 = vector.broadcast %max3A_553 : f32 to vector<64x1024xf32>
    %max3A_555 = arith.maximumf %sub3A_552, %max3A_554 : vector<64x1024xf32>
    %rsqrt3A_556 = math.rsqrt %max3A_555 : vector<64x1024xf32>
    %mul3A_557 = arith.mulf %max3A_555, %rsqrt3A_556 : vector<64x1024xf32>
    %reduce_min3A_558 = arith.constant dense<0x7F800000> : vector<64xf32>
    %reduce_min3A_559 = vector.multi_reduction <minimumf>, %mul3A_557, %reduce_min3A_558 [1] : vector<64x1024xf32> to vector<64xf32>
    %broadcast_in_dim3A_560 = vector.shape_cast %reduce_min3A_559 : vector<64xf32> to vector<64x1xf32>
    %eq3A_561 = vector.broadcast %broadcast_in_dim3A_560 : vector<64x1xf32> to vector<64x1024xf32>
    %eq3A_562 = arith.cmpf oeq, %mul3A_557, %eq3A_561 : vector<64x1024xf32>
    %jit3A_563 = arith.constant 1024 : i32
    %broadcast_in_dim3A_564 = vector.broadcast %jit3A_563 : i32 to vector<64x1024xi32>
    %select_n3A_565 = arith.select %eq3A_562, %iota3A, %broadcast_in_dim3A_564 : vector<64x1024xi1>, vector<64x1024xi32>
    %reduce_min3A_566 = arith.constant dense<2147483647> : vector<64xi32>
    %reduce_min3A_567 = vector.multi_reduction <minsi>, %select_n3A_565, %reduce_min3A_566 [1] : vector<64x1024xi32> to vector<64xi32>
    %swap3A_568 = arith.constant 0 : index
    %swap3A_569 = arith.constant 0 : index
    %swap3A_570 = arith.constant 832 : index
    %swap3A_571 = vector.load %arg4[%swap3A_568, %swap3A_569, %swap3A_570] : memref<1x1x2048xi32, #tpu.memory_space<vmem>>, vector<1x1x64xi32>
    %swap3A_572 = vector.shape_cast %swap3A_571 : vector<1x1x64xi32> to vector<64xi32>
    %swap3A_573 = vector.shape_cast %reduce_min3A_567 : vector<64xi32> to vector<1x1x64xi32>
    tpu.vector_store %arg4[%swap3A_568, %swap3A_569, %swap3A_570], %swap3A_573 {strides = array<i32>} : memref<1x1x2048xi32, #tpu.memory_space<vmem>>, vector<1x1x64xi32>,
    %mul3A_574 = arith.mulf %broadcast_in_dim3A_560, %broadcast_in_dim3A_560 : vector<64x1xf32>
    %swap3A_575 = arith.constant 832 : index
    %swap3A_576 = arith.constant 0 : index
    %swap3A_577 = vector.load %arg9[%swap3A_575, %swap3A_576] : memref<2048x1xf32, #tpu.memory_space<vmem>>, vector<64x1xf32>
    tpu.vector_store %arg9[%swap3A_575, %swap3A_576], %mul3A_574 {strides = array<i32>} : memref<2048x1xf32, #tpu.memory_space<vmem>>, vector<64x1xf32>,
    %slice3A_578 = vector.extract_strided_slice %get3A_3 {offsets = [896, 0], sizes = [64, 256], strides = [1, 1]} : vector<2048x256xf32> to vector<64x256xf32>
    %dot_general3A_579 = arith.constant dense<0.000000e+00> : vector<64x1024xf32>
    %dot_general3A_580 = tpu.matmul %slice3A_578, %get3A_50, %dot_general3A_579 {dimension_numbers = #tpu.dot_dimension_numbers<[1], [1], [0], [0], [0, 0, 1, 0], [], []>, transpose_lhs_hint = false} : vector<64x256xf32>, vector<1024x256xf32>, vector<64x1024xf32> -> vector<64x1024xf32>
    %get3A_581 = arith.constant 896 : index
    %get3A_582 = arith.constant 0 : index
    %get3A_583 = vector.load %arg8[%get3A_581, %get3A_582] : memref<2048x1xf32, #tpu.memory_space<vmem>>, vector<64x1xf32>
    %add3A_584 = vector.broadcast %get3A_583 : vector<64x1xf32> to vector<64x1024xf32>
    %add3A_585 = vector.broadcast %get3A_53 : vector<1x1024xf32> to vector<64x1024xf32>
    %add3A_586 = arith.addf %add3A_584, %add3A_585 : vector<64x1024xf32>
    %mul3A_587 = arith.constant 2.000000e+00 : f32
    %mul3A_588 = vector.broadcast %mul3A_587 : f32 to vector<64x1024xf32>
    %mul3A_589 = arith.mulf %mul3A_588, %dot_general3A_580 : vector<64x1024xf32>
    %sub3A_590 = arith.subf %add3A_586, %mul3A_589 : vector<64x1024xf32>
    %max3A_591 = arith.constant 0.000000e+00 : f32
    %max3A_592 = vector.broadcast %max3A_591 : f32 to vector<64x1024xf32>
    %max3A_593 = arith.maximumf %sub3A_590, %max3A_592 : vector<64x1024xf32>
    %rsqrt3A_594 = math.rsqrt %max3A_593 : vector<64x1024xf32>
    %mul3A_595 = arith.mulf %max3A_593, %rsqrt3A_594 : vector<64x1024xf32>
    %reduce_min3A_596 = arith.constant dense<0x7F800000> : vector<64xf32>
    %reduce_min3A_597 = vector.multi_reduction <minimumf>, %mul3A_595, %reduce_min3A_596 [1] : vector<64x1024xf32> to vector<64xf32>
    %broadcast_in_dim3A_598 = vector.shape_cast %reduce_min3A_597 : vector<64xf32> to vector<64x1xf32>
    %eq3A_599 = vector.broadcast %broadcast_in_dim3A_598 : vector<64x1xf32> to vector<64x1024xf32>
    %eq3A_600 = arith.cmpf oeq, %mul3A_595, %eq3A_599 : vector<64x1024xf32>
    %jit3A_601 = arith.constant 1024 : i32
    %broadcast_in_dim3A_602 = vector.broadcast %jit3A_601 : i32 to vector<64x1024xi32>
    %select_n3A_603 = arith.select %eq3A_600, %iota3A, %broadcast_in_dim3A_602 : vector<64x1024xi1>, vector<64x1024xi32>
    %reduce_min3A_604 = arith.constant dense<2147483647> : vector<64xi32>
    %reduce_min3A_605 = vector.multi_reduction <minsi>, %select_n3A_603, %reduce_min3A_604 [1] : vector<64x1024xi32> to vector<64xi32>
    %swap3A_606 = arith.constant 0 : index
    %swap3A_607 = arith.constant 0 : index
    %swap3A_608 = arith.constant 896 : index
    %swap3A_609 = vector.load %arg4[%swap3A_606, %swap3A_607, %swap3A_608] : memref<1x1x2048xi32, #tpu.memory_space<vmem>>, vector<1x1x64xi32>
    %swap3A_610 = vector.shape_cast %swap3A_609 : vector<1x1x64xi32> to vector<64xi32>
    %swap3A_611 = vector.shape_cast %reduce_min3A_605 : vector<64xi32> to vector<1x1x64xi32>
    tpu.vector_store %arg4[%swap3A_606, %swap3A_607, %swap3A_608], %swap3A_611 {strides = array<i32>} : memref<1x1x2048xi32, #tpu.memory_space<vmem>>, vector<1x1x64xi32>,
    %mul3A_612 = arith.mulf %broadcast_in_dim3A_598, %broadcast_in_dim3A_598 : vector<64x1xf32>
    %swap3A_613 = arith.constant 896 : index
    %swap3A_614 = arith.constant 0 : index
    %swap3A_615 = vector.load %arg9[%swap3A_613, %swap3A_614] : memref<2048x1xf32, #tpu.memory_space<vmem>>, vector<64x1xf32>
    tpu.vector_store %arg9[%swap3A_613, %swap3A_614], %mul3A_612 {strides = array<i32>} : memref<2048x1xf32, #tpu.memory_space<vmem>>, vector<64x1xf32>,
    %slice3A_616 = vector.extract_strided_slice %get3A_3 {offsets = [960, 0], sizes = [64, 256], strides = [1, 1]} : vector<2048x256xf32> to vector<64x256xf32>
    %dot_general3A_617 = arith.constant dense<0.000000e+00> : vector<64x1024xf32>
    %dot_general3A_618 = tpu.matmul %slice3A_616, %get3A_50, %dot_general3A_617 {dimension_numbers = #tpu.dot_dimension_numbers<[1], [1], [0], [0], [0, 0, 1, 0], [], []>, transpose_lhs_hint = false} : vector<64x256xf32>, vector<1024x256xf32>, vector<64x1024xf32> -> vector<64x1024xf32>
    %get3A_619 = arith.constant 960 : index
    %get3A_620 = arith.constant 0 : index
    %get3A_621 = vector.load %arg8[%get3A_619, %get3A_620] : memref<2048x1xf32, #tpu.memory_space<vmem>>, vector<64x1xf32>
    %add3A_622 = vector.broadcast %get3A_621 : vector<64x1xf32> to vector<64x1024xf32>
    %add3A_623 = vector.broadcast %get3A_53 : vector<1x1024xf32> to vector<64x1024xf32>
    %add3A_624 = arith.addf %add3A_622, %add3A_623 : vector<64x1024xf32>
    %mul3A_625 = arith.constant 2.000000e+00 : f32
    %mul3A_626 = vector.broadcast %mul3A_625 : f32 to vector<64x1024xf32>
    %mul3A_627 = arith.mulf %mul3A_626, %dot_general3A_618 : vector<64x1024xf32>
    %sub3A_628 = arith.subf %add3A_624, %mul3A_627 : vector<64x1024xf32>
    %max3A_629 = arith.constant 0.000000e+00 : f32
    %max3A_630 = vector.broadcast %max3A_629 : f32 to vector<64x1024xf32>
    %max3A_631 = arith.maximumf %sub3A_628, %max3A_630 : vector<64x1024xf32>
    %rsqrt3A_632 = math.rsqrt %max3A_631 : vector<64x1024xf32>
    %mul3A_633 = arith.mulf %max3A_631, %rsqrt3A_632 : vector<64x1024xf32>
    %reduce_min3A_634 = arith.constant dense<0x7F800000> : vector<64xf32>
    %reduce_min3A_635 = vector.multi_reduction <minimumf>, %mul3A_633, %reduce_min3A_634 [1] : vector<64x1024xf32> to vector<64xf32>
    %broadcast_in_dim3A_636 = vector.shape_cast %reduce_min3A_635 : vector<64xf32> to vector<64x1xf32>
    %eq3A_637 = vector.broadcast %broadcast_in_dim3A_636 : vector<64x1xf32> to vector<64x1024xf32>
    %eq3A_638 = arith.cmpf oeq, %mul3A_633, %eq3A_637 : vector<64x1024xf32>
    %jit3A_639 = arith.constant 1024 : i32
    %broadcast_in_dim3A_640 = vector.broadcast %jit3A_639 : i32 to vector<64x1024xi32>
    %select_n3A_641 = arith.select %eq3A_638, %iota3A, %broadcast_in_dim3A_640 : vector<64x1024xi1>, vector<64x1024xi32>
    %reduce_min3A_642 = arith.constant dense<2147483647> : vector<64xi32>
    %reduce_min3A_643 = vector.multi_reduction <minsi>, %select_n3A_641, %reduce_min3A_642 [1] : vector<64x1024xi32> to vector<64xi32>
    %swap3A_644 = arith.constant 0 : index
    %swap3A_645 = arith.constant 0 : index
    %swap3A_646 = arith.constant 960 : index
    %swap3A_647 = vector.load %arg4[%swap3A_644, %swap3A_645, %swap3A_646] : memref<1x1x2048xi32, #tpu.memory_space<vmem>>, vector<1x1x64xi32>
    %swap3A_648 = vector.shape_cast %swap3A_647 : vector<1x1x64xi32> to vector<64xi32>
    %swap3A_649 = vector.shape_cast %reduce_min3A_643 : vector<64xi32> to vector<1x1x64xi32>
    tpu.vector_store %arg4[%swap3A_644, %swap3A_645, %swap3A_646], %swap3A_649 {strides = array<i32>} : memref<1x1x2048xi32, #tpu.memory_space<vmem>>, vector<1x1x64xi32>,
    %mul3A_650 = arith.mulf %broadcast_in_dim3A_636, %broadcast_in_dim3A_636 : vector<64x1xf32>
    %swap3A_651 = arith.constant 960 : index
    %swap3A_652 = arith.constant 0 : index
    %swap3A_653 = vector.load %arg9[%swap3A_651, %swap3A_652] : memref<2048x1xf32, #tpu.memory_space<vmem>>, vector<64x1xf32>
    tpu.vector_store %arg9[%swap3A_651, %swap3A_652], %mul3A_650 {strides = array<i32>} : memref<2048x1xf32, #tpu.memory_space<vmem>>, vector<64x1xf32>,
    %slice3A_654 = vector.extract_strided_slice %get3A_3 {offsets = [1024, 0], sizes = [64, 256], strides = [1, 1]} : vector<2048x256xf32> to vector<64x256xf32>
    %dot_general3A_655 = arith.constant dense<0.000000e+00> : vector<64x1024xf32>
    %dot_general3A_656 = tpu.matmul %slice3A_654, %get3A_50, %dot_general3A_655 {dimension_numbers = #tpu.dot_dimension_numbers<[1], [1], [0], [0], [0, 0, 1, 0], [], []>, transpose_lhs_hint = false} : vector<64x256xf32>, vector<1024x256xf32>, vector<64x1024xf32> -> vector<64x1024xf32>
    %get3A_657 = arith.constant 1024 : index
    %get3A_658 = arith.constant 0 : index
    %get3A_659 = vector.load %arg8[%get3A_657, %get3A_658] : memref<2048x1xf32, #tpu.memory_space<vmem>>, vector<64x1xf32>
    %add3A_660 = vector.broadcast %get3A_659 : vector<64x1xf32> to vector<64x1024xf32>
    %add3A_661 = vector.broadcast %get3A_53 : vector<1x1024xf32> to vector<64x1024xf32>
    %add3A_662 = arith.addf %add3A_660, %add3A_661 : vector<64x1024xf32>
    %mul3A_663 = arith.constant 2.000000e+00 : f32
    %mul3A_664 = vector.broadcast %mul3A_663 : f32 to vector<64x1024xf32>
    %mul3A_665 = arith.mulf %mul3A_664, %dot_general3A_656 : vector<64x1024xf32>
    %sub3A_666 = arith.subf %add3A_662, %mul3A_665 : vector<64x1024xf32>
    %max3A_667 = arith.constant 0.000000e+00 : f32
    %max3A_668 = vector.broadcast %max3A_667 : f32 to vector<64x1024xf32>
    %max3A_669 = arith.maximumf %sub3A_666, %max3A_668 : vector<64x1024xf32>
    %rsqrt3A_670 = math.rsqrt %max3A_669 : vector<64x1024xf32>
    %mul3A_671 = arith.mulf %max3A_669, %rsqrt3A_670 : vector<64x1024xf32>
    %reduce_min3A_672 = arith.constant dense<0x7F800000> : vector<64xf32>
    %reduce_min3A_673 = vector.multi_reduction <minimumf>, %mul3A_671, %reduce_min3A_672 [1] : vector<64x1024xf32> to vector<64xf32>
    %broadcast_in_dim3A_674 = vector.shape_cast %reduce_min3A_673 : vector<64xf32> to vector<64x1xf32>
    %eq3A_675 = vector.broadcast %broadcast_in_dim3A_674 : vector<64x1xf32> to vector<64x1024xf32>
    %eq3A_676 = arith.cmpf oeq, %mul3A_671, %eq3A_675 : vector<64x1024xf32>
    %jit3A_677 = arith.constant 1024 : i32
    %broadcast_in_dim3A_678 = vector.broadcast %jit3A_677 : i32 to vector<64x1024xi32>
    %select_n3A_679 = arith.select %eq3A_676, %iota3A, %broadcast_in_dim3A_678 : vector<64x1024xi1>, vector<64x1024xi32>
    %reduce_min3A_680 = arith.constant dense<2147483647> : vector<64xi32>
    %reduce_min3A_681 = vector.multi_reduction <minsi>, %select_n3A_679, %reduce_min3A_680 [1] : vector<64x1024xi32> to vector<64xi32>
    %swap3A_682 = arith.constant 0 : index
    %swap3A_683 = arith.constant 0 : index
    %swap3A_684 = arith.constant 1024 : index
    %swap3A_685 = vector.load %arg4[%swap3A_682, %swap3A_683, %swap3A_684] : memref<1x1x2048xi32, #tpu.memory_space<vmem>>, vector<1x1x64xi32>
    %swap3A_686 = vector.shape_cast %swap3A_685 : vector<1x1x64xi32> to vector<64xi32>
    %swap3A_687 = vector.shape_cast %reduce_min3A_681 : vector<64xi32> to vector<1x1x64xi32>
    tpu.vector_store %arg4[%swap3A_682, %swap3A_683, %swap3A_684], %swap3A_687 {strides = array<i32>} : memref<1x1x2048xi32, #tpu.memory_space<vmem>>, vector<1x1x64xi32>,
    %mul3A_688 = arith.mulf %broadcast_in_dim3A_674, %broadcast_in_dim3A_674 : vector<64x1xf32>
    %swap3A_689 = arith.constant 1024 : index
    %swap3A_690 = arith.constant 0 : index
    %swap3A_691 = vector.load %arg9[%swap3A_689, %swap3A_690] : memref<2048x1xf32, #tpu.memory_space<vmem>>, vector<64x1xf32>
    tpu.vector_store %arg9[%swap3A_689, %swap3A_690], %mul3A_688 {strides = array<i32>} : memref<2048x1xf32, #tpu.memory_space<vmem>>, vector<64x1xf32>,
    %slice3A_692 = vector.extract_strided_slice %get3A_3 {offsets = [1088, 0], sizes = [64, 256], strides = [1, 1]} : vector<2048x256xf32> to vector<64x256xf32>
    %dot_general3A_693 = arith.constant dense<0.000000e+00> : vector<64x1024xf32>
    %dot_general3A_694 = tpu.matmul %slice3A_692, %get3A_50, %dot_general3A_693 {dimension_numbers = #tpu.dot_dimension_numbers<[1], [1], [0], [0], [0, 0, 1, 0], [], []>, transpose_lhs_hint = false} : vector<64x256xf32>, vector<1024x256xf32>, vector<64x1024xf32> -> vector<64x1024xf32>
    %get3A_695 = arith.constant 1088 : index
    %get3A_696 = arith.constant 0 : index
    %get3A_697 = vector.load %arg8[%get3A_695, %get3A_696] : memref<2048x1xf32, #tpu.memory_space<vmem>>, vector<64x1xf32>
    %add3A_698 = vector.broadcast %get3A_697 : vector<64x1xf32> to vector<64x1024xf32>
    %add3A_699 = vector.broadcast %get3A_53 : vector<1x1024xf32> to vector<64x1024xf32>
    %add3A_700 = arith.addf %add3A_698, %add3A_699 : vector<64x1024xf32>
    %mul3A_701 = arith.constant 2.000000e+00 : f32
    %mul3A_702 = vector.broadcast %mul3A_701 : f32 to vector<64x1024xf32>
    %mul3A_703 = arith.mulf %mul3A_702, %dot_general3A_694 : vector<64x1024xf32>
    %sub3A_704 = arith.subf %add3A_700, %mul3A_703 : vector<64x1024xf32>
    %max3A_705 = arith.constant 0.000000e+00 : f32
    %max3A_706 = vector.broadcast %max3A_705 : f32 to vector<64x1024xf32>
    %max3A_707 = arith.maximumf %sub3A_704, %max3A_706 : vector<64x1024xf32>
    %rsqrt3A_708 = math.rsqrt %max3A_707 : vector<64x1024xf32>
    %mul3A_709 = arith.mulf %max3A_707, %rsqrt3A_708 : vector<64x1024xf32>
    %reduce_min3A_710 = arith.constant dense<0x7F800000> : vector<64xf32>
    %reduce_min3A_711 = vector.multi_reduction <minimumf>, %mul3A_709, %reduce_min3A_710 [1] : vector<64x1024xf32> to vector<64xf32>
    %broadcast_in_dim3A_712 = vector.shape_cast %reduce_min3A_711 : vector<64xf32> to vector<64x1xf32>
    %eq3A_713 = vector.broadcast %broadcast_in_dim3A_712 : vector<64x1xf32> to vector<64x1024xf32>
    %eq3A_714 = arith.cmpf oeq, %mul3A_709, %eq3A_713 : vector<64x1024xf32>
    %jit3A_715 = arith.constant 1024 : i32
    %broadcast_in_dim3A_716 = vector.broadcast %jit3A_715 : i32 to vector<64x1024xi32>
    %select_n3A_717 = arith.select %eq3A_714, %iota3A, %broadcast_in_dim3A_716 : vector<64x1024xi1>, vector<64x1024xi32>
    %reduce_min3A_718 = arith.constant dense<2147483647> : vector<64xi32>
    %reduce_min3A_719 = vector.multi_reduction <minsi>, %select_n3A_717, %reduce_min3A_718 [1] : vector<64x1024xi32> to vector<64xi32>
    %swap3A_720 = arith.constant 0 : index
    %swap3A_721 = arith.constant 0 : index
    %swap3A_722 = arith.constant 1088 : index
    %swap3A_723 = vector.load %arg4[%swap3A_720, %swap3A_721, %swap3A_722] : memref<1x1x2048xi32, #tpu.memory_space<vmem>>, vector<1x1x64xi32>
    %swap3A_724 = vector.shape_cast %swap3A_723 : vector<1x1x64xi32> to vector<64xi32>
    %swap3A_725 = vector.shape_cast %reduce_min3A_719 : vector<64xi32> to vector<1x1x64xi32>
    tpu.vector_store %arg4[%swap3A_720, %swap3A_721, %swap3A_722], %swap3A_725 {strides = array<i32>} : memref<1x1x2048xi32, #tpu.memory_space<vmem>>, vector<1x1x64xi32>,
    %mul3A_726 = arith.mulf %broadcast_in_dim3A_712, %broadcast_in_dim3A_712 : vector<64x1xf32>
    %swap3A_727 = arith.constant 1088 : index
    %swap3A_728 = arith.constant 0 : index
    %swap3A_729 = vector.load %arg9[%swap3A_727, %swap3A_728] : memref<2048x1xf32, #tpu.memory_space<vmem>>, vector<64x1xf32>
    tpu.vector_store %arg9[%swap3A_727, %swap3A_728], %mul3A_726 {strides = array<i32>} : memref<2048x1xf32, #tpu.memory_space<vmem>>, vector<64x1xf32>,
    %slice3A_730 = vector.extract_strided_slice %get3A_3 {offsets = [1152, 0], sizes = [64, 256], strides = [1, 1]} : vector<2048x256xf32> to vector<64x256xf32>
    %dot_general3A_731 = arith.constant dense<0.000000e+00> : vector<64x1024xf32>
    %dot_general3A_732 = tpu.matmul %slice3A_730, %get3A_50, %dot_general3A_731 {dimension_numbers = #tpu.dot_dimension_numbers<[1], [1], [0], [0], [0, 0, 1, 0], [], []>, transpose_lhs_hint = false} : vector<64x256xf32>, vector<1024x256xf32>, vector<64x1024xf32> -> vector<64x1024xf32>
    %get3A_733 = arith.constant 1152 : index
    %get3A_734 = arith.constant 0 : index
    %get3A_735 = vector.load %arg8[%get3A_733, %get3A_734] : memref<2048x1xf32, #tpu.memory_space<vmem>>, vector<64x1xf32>
    %add3A_736 = vector.broadcast %get3A_735 : vector<64x1xf32> to vector<64x1024xf32>
    %add3A_737 = vector.broadcast %get3A_53 : vector<1x1024xf32> to vector<64x1024xf32>
    %add3A_738 = arith.addf %add3A_736, %add3A_737 : vector<64x1024xf32>
    %mul3A_739 = arith.constant 2.000000e+00 : f32
    %mul3A_740 = vector.broadcast %mul3A_739 : f32 to vector<64x1024xf32>
    %mul3A_741 = arith.mulf %mul3A_740, %dot_general3A_732 : vector<64x1024xf32>
    %sub3A_742 = arith.subf %add3A_738, %mul3A_741 : vector<64x1024xf32>
    %max3A_743 = arith.constant 0.000000e+00 : f32
    %max3A_744 = vector.broadcast %max3A_743 : f32 to vector<64x1024xf32>
    %max3A_745 = arith.maximumf %sub3A_742, %max3A_744 : vector<64x1024xf32>
    %rsqrt3A_746 = math.rsqrt %max3A_745 : vector<64x1024xf32>
    %mul3A_747 = arith.mulf %max3A_745, %rsqrt3A_746 : vector<64x1024xf32>
    %reduce_min3A_748 = arith.constant dense<0x7F800000> : vector<64xf32>
    %reduce_min3A_749 = vector.multi_reduction <minimumf>, %mul3A_747, %reduce_min3A_748 [1] : vector<64x1024xf32> to vector<64xf32>
    %broadcast_in_dim3A_750 = vector.shape_cast %reduce_min3A_749 : vector<64xf32> to vector<64x1xf32>
    %eq3A_751 = vector.broadcast %broadcast_in_dim3A_750 : vector<64x1xf32> to vector<64x1024xf32>
    %eq3A_752 = arith.cmpf oeq, %mul3A_747, %eq3A_751 : vector<64x1024xf32>
    %jit3A_753 = arith.constant 1024 : i32
    %broadcast_in_dim3A_754 = vector.broadcast %jit3A_753 : i32 to vector<64x1024xi32>
    %select_n3A_755 = arith.select %eq3A_752, %iota3A, %broadcast_in_dim3A_754 : vector<64x1024xi1>, vector<64x1024xi32>
    %reduce_min3A_756 = arith.constant dense<2147483647> : vector<64xi32>
    %reduce_min3A_757 = vector.multi_reduction <minsi>, %select_n3A_755, %reduce_min3A_756 [1] : vector<64x1024xi32> to vector<64xi32>
    %swap3A_758 = arith.constant 0 : index
    %swap3A_759 = arith.constant 0 : index
    %swap3A_760 = arith.constant 1152 : index
    %swap3A_761 = vector.load %arg4[%swap3A_758, %swap3A_759, %swap3A_760] : memref<1x1x2048xi32, #tpu.memory_space<vmem>>, vector<1x1x64xi32>
    %swap3A_762 = vector.shape_cast %swap3A_761 : vector<1x1x64xi32> to vector<64xi32>
    %swap3A_763 = vector.shape_cast %reduce_min3A_757 : vector<64xi32> to vector<1x1x64xi32>
    tpu.vector_store %arg4[%swap3A_758, %swap3A_759, %swap3A_760], %swap3A_763 {strides = array<i32>} : memref<1x1x2048xi32, #tpu.memory_space<vmem>>, vector<1x1x64xi32>,
    %mul3A_764 = arith.mulf %broadcast_in_dim3A_750, %broadcast_in_dim3A_750 : vector<64x1xf32>
    %swap3A_765 = arith.constant 1152 : index
    %swap3A_766 = arith.constant 0 : index
    %swap3A_767 = vector.load %arg9[%swap3A_765, %swap3A_766] : memref<2048x1xf32, #tpu.memory_space<vmem>>, vector<64x1xf32>
    tpu.vector_store %arg9[%swap3A_765, %swap3A_766], %mul3A_764 {strides = array<i32>} : memref<2048x1xf32, #tpu.memory_space<vmem>>, vector<64x1xf32>,
    %slice3A_768 = vector.extract_strided_slice %get3A_3 {offsets = [1216, 0], sizes = [64, 256], strides = [1, 1]} : vector<2048x256xf32> to vector<64x256xf32>
    %dot_general3A_769 = arith.constant dense<0.000000e+00> : vector<64x1024xf32>
    %dot_general3A_770 = tpu.matmul %slice3A_768, %get3A_50, %dot_general3A_769 {dimension_numbers = #tpu.dot_dimension_numbers<[1], [1], [0], [0], [0, 0, 1, 0], [], []>, transpose_lhs_hint = false} : vector<64x256xf32>, vector<1024x256xf32>, vector<64x1024xf32> -> vector<64x1024xf32>
    %get3A_771 = arith.constant 1216 : index
    %get3A_772 = arith.constant 0 : index
    %get3A_773 = vector.load %arg8[%get3A_771, %get3A_772] : memref<2048x1xf32, #tpu.memory_space<vmem>>, vector<64x1xf32>
    %add3A_774 = vector.broadcast %get3A_773 : vector<64x1xf32> to vector<64x1024xf32>
    %add3A_775 = vector.broadcast %get3A_53 : vector<1x1024xf32> to vector<64x1024xf32>
    %add3A_776 = arith.addf %add3A_774, %add3A_775 : vector<64x1024xf32>
    %mul3A_777 = arith.constant 2.000000e+00 : f32
    %mul3A_778 = vector.broadcast %mul3A_777 : f32 to vector<64x1024xf32>
    %mul3A_779 = arith.mulf %mul3A_778, %dot_general3A_770 : vector<64x1024xf32>
    %sub3A_780 = arith.subf %add3A_776, %mul3A_779 : vector<64x1024xf32>
    %max3A_781 = arith.constant 0.000000e+00 : f32
    %max3A_782 = vector.broadcast %max3A_781 : f32 to vector<64x1024xf32>
    %max3A_783 = arith.maximumf %sub3A_780, %max3A_782 : vector<64x1024xf32>
    %rsqrt3A_784 = math.rsqrt %max3A_783 : vector<64x1024xf32>
    %mul3A_785 = arith.mulf %max3A_783, %rsqrt3A_784 : vector<64x1024xf32>
    %reduce_min3A_786 = arith.constant dense<0x7F800000> : vector<64xf32>
    %reduce_min3A_787 = vector.multi_reduction <minimumf>, %mul3A_785, %reduce_min3A_786 [1] : vector<64x1024xf32> to vector<64xf32>
    %broadcast_in_dim3A_788 = vector.shape_cast %reduce_min3A_787 : vector<64xf32> to vector<64x1xf32>
    %eq3A_789 = vector.broadcast %broadcast_in_dim3A_788 : vector<64x1xf32> to vector<64x1024xf32>
    %eq3A_790 = arith.cmpf oeq, %mul3A_785, %eq3A_789 : vector<64x1024xf32>
    %jit3A_791 = arith.constant 1024 : i32
    %broadcast_in_dim3A_792 = vector.broadcast %jit3A_791 : i32 to vector<64x1024xi32>
    %select_n3A_793 = arith.select %eq3A_790, %iota3A, %broadcast_in_dim3A_792 : vector<64x1024xi1>, vector<64x1024xi32>
    %reduce_min3A_794 = arith.constant dense<2147483647> : vector<64xi32>
    %reduce_min3A_795 = vector.multi_reduction <minsi>, %select_n3A_793, %reduce_min3A_794 [1] : vector<64x1024xi32> to vector<64xi32>
    %swap3A_796 = arith.constant 0 : index
    %swap3A_797 = arith.constant 0 : index
    %swap3A_798 = arith.constant 1216 : index
    %swap3A_799 = vector.load %arg4[%swap3A_796, %swap3A_797, %swap3A_798] : memref<1x1x2048xi32, #tpu.memory_space<vmem>>, vector<1x1x64xi32>
    %swap3A_800 = vector.shape_cast %swap3A_799 : vector<1x1x64xi32> to vector<64xi32>
    %swap3A_801 = vector.shape_cast %reduce_min3A_795 : vector<64xi32> to vector<1x1x64xi32>
    tpu.vector_store %arg4[%swap3A_796, %swap3A_797, %swap3A_798], %swap3A_801 {strides = array<i32>} : memref<1x1x2048xi32, #tpu.memory_space<vmem>>, vector<1x1x64xi32>,
    %mul3A_802 = arith.mulf %broadcast_in_dim3A_788, %broadcast_in_dim3A_788 : vector<64x1xf32>
    %swap3A_803 = arith.constant 1216 : index
    %swap3A_804 = arith.constant 0 : index
    %swap3A_805 = vector.load %arg9[%swap3A_803, %swap3A_804] : memref<2048x1xf32, #tpu.memory_space<vmem>>, vector<64x1xf32>
    tpu.vector_store %arg9[%swap3A_803, %swap3A_804], %mul3A_802 {strides = array<i32>} : memref<2048x1xf32, #tpu.memory_space<vmem>>, vector<64x1xf32>,
    %slice3A_806 = vector.extract_strided_slice %get3A_3 {offsets = [1280, 0], sizes = [64, 256], strides = [1, 1]} : vector<2048x256xf32> to vector<64x256xf32>
    %dot_general3A_807 = arith.constant dense<0.000000e+00> : vector<64x1024xf32>
    %dot_general3A_808 = tpu.matmul %slice3A_806, %get3A_50, %dot_general3A_807 {dimension_numbers = #tpu.dot_dimension_numbers<[1], [1], [0], [0], [0, 0, 1, 0], [], []>, transpose_lhs_hint = false} : vector<64x256xf32>, vector<1024x256xf32>, vector<64x1024xf32> -> vector<64x1024xf32>
    %get3A_809 = arith.constant 1280 : index
    %get3A_810 = arith.constant 0 : index
    %get3A_811 = vector.load %arg8[%get3A_809, %get3A_810] : memref<2048x1xf32, #tpu.memory_space<vmem>>, vector<64x1xf32>
    %add3A_812 = vector.broadcast %get3A_811 : vector<64x1xf32> to vector<64x1024xf32>
    %add3A_813 = vector.broadcast %get3A_53 : vector<1x1024xf32> to vector<64x1024xf32>
    %add3A_814 = arith.addf %add3A_812, %add3A_813 : vector<64x1024xf32>
    %mul3A_815 = arith.constant 2.000000e+00 : f32
    %mul3A_816 = vector.broadcast %mul3A_815 : f32 to vector<64x1024xf32>
    %mul3A_817 = arith.mulf %mul3A_816, %dot_general3A_808 : vector<64x1024xf32>
    %sub3A_818 = arith.subf %add3A_814, %mul3A_817 : vector<64x1024xf32>
    %max3A_819 = arith.constant 0.000000e+00 : f32
    %max3A_820 = vector.broadcast %max3A_819 : f32 to vector<64x1024xf32>
    %max3A_821 = arith.maximumf %sub3A_818, %max3A_820 : vector<64x1024xf32>
    %rsqrt3A_822 = math.rsqrt %max3A_821 : vector<64x1024xf32>
    %mul3A_823 = arith.mulf %max3A_821, %rsqrt3A_822 : vector<64x1024xf32>
    %reduce_min3A_824 = arith.constant dense<0x7F800000> : vector<64xf32>
    %reduce_min3A_825 = vector.multi_reduction <minimumf>, %mul3A_823, %reduce_min3A_824 [1] : vector<64x1024xf32> to vector<64xf32>
    %broadcast_in_dim3A_826 = vector.shape_cast %reduce_min3A_825 : vector<64xf32> to vector<64x1xf32>
    %eq3A_827 = vector.broadcast %broadcast_in_dim3A_826 : vector<64x1xf32> to vector<64x1024xf32>
    %eq3A_828 = arith.cmpf oeq, %mul3A_823, %eq3A_827 : vector<64x1024xf32>
    %jit3A_829 = arith.constant 1024 : i32
    %broadcast_in_dim3A_830 = vector.broadcast %jit3A_829 : i32 to vector<64x1024xi32>
    %select_n3A_831 = arith.select %eq3A_828, %iota3A, %broadcast_in_dim3A_830 : vector<64x1024xi1>, vector<64x1024xi32>
    %reduce_min3A_832 = arith.constant dense<2147483647> : vector<64xi32>
    %reduce_min3A_833 = vector.multi_reduction <minsi>, %select_n3A_831, %reduce_min3A_832 [1] : vector<64x1024xi32> to vector<64xi32>
    %swap3A_834 = arith.constant 0 : index
    %swap3A_835 = arith.constant 0 : index
    %swap3A_836 = arith.constant 1280 : index
    %swap3A_837 = vector.load %arg4[%swap3A_834, %swap3A_835, %swap3A_836] : memref<1x1x2048xi32, #tpu.memory_space<vmem>>, vector<1x1x64xi32>
    %swap3A_838 = vector.shape_cast %swap3A_837 : vector<1x1x64xi32> to vector<64xi32>
    %swap3A_839 = vector.shape_cast %reduce_min3A_833 : vector<64xi32> to vector<1x1x64xi32>
    tpu.vector_store %arg4[%swap3A_834, %swap3A_835, %swap3A_836], %swap3A_839 {strides = array<i32>} : memref<1x1x2048xi32, #tpu.memory_space<vmem>>, vector<1x1x64xi32>,
    %mul3A_840 = arith.mulf %broadcast_in_dim3A_826, %broadcast_in_dim3A_826 : vector<64x1xf32>
    %swap3A_841 = arith.constant 1280 : index
    %swap3A_842 = arith.constant 0 : index
    %swap3A_843 = vector.load %arg9[%swap3A_841, %swap3A_842] : memref<2048x1xf32, #tpu.memory_space<vmem>>, vector<64x1xf32>
    tpu.vector_store %arg9[%swap3A_841, %swap3A_842], %mul3A_840 {strides = array<i32>} : memref<2048x1xf32, #tpu.memory_space<vmem>>, vector<64x1xf32>,
    %slice3A_844 = vector.extract_strided_slice %get3A_3 {offsets = [1344, 0], sizes = [64, 256], strides = [1, 1]} : vector<2048x256xf32> to vector<64x256xf32>
    %dot_general3A_845 = arith.constant dense<0.000000e+00> : vector<64x1024xf32>
    %dot_general3A_846 = tpu.matmul %slice3A_844, %get3A_50, %dot_general3A_845 {dimension_numbers = #tpu.dot_dimension_numbers<[1], [1], [0], [0], [0, 0, 1, 0], [], []>, transpose_lhs_hint = false} : vector<64x256xf32>, vector<1024x256xf32>, vector<64x1024xf32> -> vector<64x1024xf32>
    %get3A_847 = arith.constant 1344 : index
    %get3A_848 = arith.constant 0 : index
    %get3A_849 = vector.load %arg8[%get3A_847, %get3A_848] : memref<2048x1xf32, #tpu.memory_space<vmem>>, vector<64x1xf32>
    %add3A_850 = vector.broadcast %get3A_849 : vector<64x1xf32> to vector<64x1024xf32>
    %add3A_851 = vector.broadcast %get3A_53 : vector<1x1024xf32> to vector<64x1024xf32>
    %add3A_852 = arith.addf %add3A_850, %add3A_851 : vector<64x1024xf32>
    %mul3A_853 = arith.constant 2.000000e+00 : f32
    %mul3A_854 = vector.broadcast %mul3A_853 : f32 to vector<64x1024xf32>
    %mul3A_855 = arith.mulf %mul3A_854, %dot_general3A_846 : vector<64x1024xf32>
    %sub3A_856 = arith.subf %add3A_852, %mul3A_855 : vector<64x1024xf32>
    %max3A_857 = arith.constant 0.000000e+00 : f32
    %max3A_858 = vector.broadcast %max3A_857 : f32 to vector<64x1024xf32>
    %max3A_859 = arith.maximumf %sub3A_856, %max3A_858 : vector<64x1024xf32>
    %rsqrt3A_860 = math.rsqrt %max3A_859 : vector<64x1024xf32>
    %mul3A_861 = arith.mulf %max3A_859, %rsqrt3A_860 : vector<64x1024xf32>
    %reduce_min3A_862 = arith.constant dense<0x7F800000> : vector<64xf32>
    %reduce_min3A_863 = vector.multi_reduction <minimumf>, %mul3A_861, %reduce_min3A_862 [1] : vector<64x1024xf32> to vector<64xf32>
    %broadcast_in_dim3A_864 = vector.shape_cast %reduce_min3A_863 : vector<64xf32> to vector<64x1xf32>
    %eq3A_865 = vector.broadcast %broadcast_in_dim3A_864 : vector<64x1xf32> to vector<64x1024xf32>
    %eq3A_866 = arith.cmpf oeq, %mul3A_861, %eq3A_865 : vector<64x1024xf32>
    %jit3A_867 = arith.constant 1024 : i32
    %broadcast_in_dim3A_868 = vector.broadcast %jit3A_867 : i32 to vector<64x1024xi32>
    %select_n3A_869 = arith.select %eq3A_866, %iota3A, %broadcast_in_dim3A_868 : vector<64x1024xi1>, vector<64x1024xi32>
    %reduce_min3A_870 = arith.constant dense<2147483647> : vector<64xi32>
    %reduce_min3A_871 = vector.multi_reduction <minsi>, %select_n3A_869, %reduce_min3A_870 [1] : vector<64x1024xi32> to vector<64xi32>
    %swap3A_872 = arith.constant 0 : index
    %swap3A_873 = arith.constant 0 : index
    %swap3A_874 = arith.constant 1344 : index
    %swap3A_875 = vector.load %arg4[%swap3A_872, %swap3A_873, %swap3A_874] : memref<1x1x2048xi32, #tpu.memory_space<vmem>>, vector<1x1x64xi32>
    %swap3A_876 = vector.shape_cast %swap3A_875 : vector<1x1x64xi32> to vector<64xi32>
    %swap3A_877 = vector.shape_cast %reduce_min3A_871 : vector<64xi32> to vector<1x1x64xi32>
    tpu.vector_store %arg4[%swap3A_872, %swap3A_873, %swap3A_874], %swap3A_877 {strides = array<i32>} : memref<1x1x2048xi32, #tpu.memory_space<vmem>>, vector<1x1x64xi32>,
    %mul3A_878 = arith.mulf %broadcast_in_dim3A_864, %broadcast_in_dim3A_864 : vector<64x1xf32>
    %swap3A_879 = arith.constant 1344 : index
    %swap3A_880 = arith.constant 0 : index
    %swap3A_881 = vector.load %arg9[%swap3A_879, %swap3A_880] : memref<2048x1xf32, #tpu.memory_space<vmem>>, vector<64x1xf32>
    tpu.vector_store %arg9[%swap3A_879, %swap3A_880], %mul3A_878 {strides = array<i32>} : memref<2048x1xf32, #tpu.memory_space<vmem>>, vector<64x1xf32>,
    %slice3A_882 = vector.extract_strided_slice %get3A_3 {offsets = [1408, 0], sizes = [64, 256], strides = [1, 1]} : vector<2048x256xf32> to vector<64x256xf32>
    %dot_general3A_883 = arith.constant dense<0.000000e+00> : vector<64x1024xf32>
    %dot_general3A_884 = tpu.matmul %slice3A_882, %get3A_50, %dot_general3A_883 {dimension_numbers = #tpu.dot_dimension_numbers<[1], [1], [0], [0], [0, 0, 1, 0], [], []>, transpose_lhs_hint = false} : vector<64x256xf32>, vector<1024x256xf32>, vector<64x1024xf32> -> vector<64x1024xf32>
    %get3A_885 = arith.constant 1408 : index
    %get3A_886 = arith.constant 0 : index
    %get3A_887 = vector.load %arg8[%get3A_885, %get3A_886] : memref<2048x1xf32, #tpu.memory_space<vmem>>, vector<64x1xf32>
    %add3A_888 = vector.broadcast %get3A_887 : vector<64x1xf32> to vector<64x1024xf32>
    %add3A_889 = vector.broadcast %get3A_53 : vector<1x1024xf32> to vector<64x1024xf32>
    %add3A_890 = arith.addf %add3A_888, %add3A_889 : vector<64x1024xf32>
    %mul3A_891 = arith.constant 2.000000e+00 : f32
    %mul3A_892 = vector.broadcast %mul3A_891 : f32 to vector<64x1024xf32>
    %mul3A_893 = arith.mulf %mul3A_892, %dot_general3A_884 : vector<64x1024xf32>
    %sub3A_894 = arith.subf %add3A_890, %mul3A_893 : vector<64x1024xf32>
    %max3A_895 = arith.constant 0.000000e+00 : f32
    %max3A_896 = vector.broadcast %max3A_895 : f32 to vector<64x1024xf32>
    %max3A_897 = arith.maximumf %sub3A_894, %max3A_896 : vector<64x1024xf32>
    %rsqrt3A_898 = math.rsqrt %max3A_897 : vector<64x1024xf32>
    %mul3A_899 = arith.mulf %max3A_897, %rsqrt3A_898 : vector<64x1024xf32>
    %reduce_min3A_900 = arith.constant dense<0x7F800000> : vector<64xf32>
    %reduce_min3A_901 = vector.multi_reduction <minimumf>, %mul3A_899, %reduce_min3A_900 [1] : vector<64x1024xf32> to vector<64xf32>
    %broadcast_in_dim3A_902 = vector.shape_cast %reduce_min3A_901 : vector<64xf32> to vector<64x1xf32>
    %eq3A_903 = vector.broadcast %broadcast_in_dim3A_902 : vector<64x1xf32> to vector<64x1024xf32>
    %eq3A_904 = arith.cmpf oeq, %mul3A_899, %eq3A_903 : vector<64x1024xf32>
    %jit3A_905 = arith.constant 1024 : i32
    %broadcast_in_dim3A_906 = vector.broadcast %jit3A_905 : i32 to vector<64x1024xi32>
    %select_n3A_907 = arith.select %eq3A_904, %iota3A, %broadcast_in_dim3A_906 : vector<64x1024xi1>, vector<64x1024xi32>
    %reduce_min3A_908 = arith.constant dense<2147483647> : vector<64xi32>
    %reduce_min3A_909 = vector.multi_reduction <minsi>, %select_n3A_907, %reduce_min3A_908 [1] : vector<64x1024xi32> to vector<64xi32>
    %swap3A_910 = arith.constant 0 : index
    %swap3A_911 = arith.constant 0 : index
    %swap3A_912 = arith.constant 1408 : index
    %swap3A_913 = vector.load %arg4[%swap3A_910, %swap3A_911, %swap3A_912] : memref<1x1x2048xi32, #tpu.memory_space<vmem>>, vector<1x1x64xi32>
    %swap3A_914 = vector.shape_cast %swap3A_913 : vector<1x1x64xi32> to vector<64xi32>
    %swap3A_915 = vector.shape_cast %reduce_min3A_909 : vector<64xi32> to vector<1x1x64xi32>
    tpu.vector_store %arg4[%swap3A_910, %swap3A_911, %swap3A_912], %swap3A_915 {strides = array<i32>} : memref<1x1x2048xi32, #tpu.memory_space<vmem>>, vector<1x1x64xi32>,
    %mul3A_916 = arith.mulf %broadcast_in_dim3A_902, %broadcast_in_dim3A_902 : vector<64x1xf32>
    %swap3A_917 = arith.constant 1408 : index
    %swap3A_918 = arith.constant 0 : index
    %swap3A_919 = vector.load %arg9[%swap3A_917, %swap3A_918] : memref<2048x1xf32, #tpu.memory_space<vmem>>, vector<64x1xf32>
    tpu.vector_store %arg9[%swap3A_917, %swap3A_918], %mul3A_916 {strides = array<i32>} : memref<2048x1xf32, #tpu.memory_space<vmem>>, vector<64x1xf32>,
    %slice3A_920 = vector.extract_strided_slice %get3A_3 {offsets = [1472, 0], sizes = [64, 256], strides = [1, 1]} : vector<2048x256xf32> to vector<64x256xf32>
    %dot_general3A_921 = arith.constant dense<0.000000e+00> : vector<64x1024xf32>
    %dot_general3A_922 = tpu.matmul %slice3A_920, %get3A_50, %dot_general3A_921 {dimension_numbers = #tpu.dot_dimension_numbers<[1], [1], [0], [0], [0, 0, 1, 0], [], []>, transpose_lhs_hint = false} : vector<64x256xf32>, vector<1024x256xf32>, vector<64x1024xf32> -> vector<64x1024xf32>
    %get3A_923 = arith.constant 1472 : index
    %get3A_924 = arith.constant 0 : index
    %get3A_925 = vector.load %arg8[%get3A_923, %get3A_924] : memref<2048x1xf32, #tpu.memory_space<vmem>>, vector<64x1xf32>
    %add3A_926 = vector.broadcast %get3A_925 : vector<64x1xf32> to vector<64x1024xf32>
    %add3A_927 = vector.broadcast %get3A_53 : vector<1x1024xf32> to vector<64x1024xf32>
    %add3A_928 = arith.addf %add3A_926, %add3A_927 : vector<64x1024xf32>
    %mul3A_929 = arith.constant 2.000000e+00 : f32
    %mul3A_930 = vector.broadcast %mul3A_929 : f32 to vector<64x1024xf32>
    %mul3A_931 = arith.mulf %mul3A_930, %dot_general3A_922 : vector<64x1024xf32>
    %sub3A_932 = arith.subf %add3A_928, %mul3A_931 : vector<64x1024xf32>
    %max3A_933 = arith.constant 0.000000e+00 : f32
    %max3A_934 = vector.broadcast %max3A_933 : f32 to vector<64x1024xf32>
    %max3A_935 = arith.maximumf %sub3A_932, %max3A_934 : vector<64x1024xf32>
    %rsqrt3A_936 = math.rsqrt %max3A_935 : vector<64x1024xf32>
    %mul3A_937 = arith.mulf %max3A_935, %rsqrt3A_936 : vector<64x1024xf32>
    %reduce_min3A_938 = arith.constant dense<0x7F800000> : vector<64xf32>
    %reduce_min3A_939 = vector.multi_reduction <minimumf>, %mul3A_937, %reduce_min3A_938 [1] : vector<64x1024xf32> to vector<64xf32>
    %broadcast_in_dim3A_940 = vector.shape_cast %reduce_min3A_939 : vector<64xf32> to vector<64x1xf32>
    %eq3A_941 = vector.broadcast %broadcast_in_dim3A_940 : vector<64x1xf32> to vector<64x1024xf32>
    %eq3A_942 = arith.cmpf oeq, %mul3A_937, %eq3A_941 : vector<64x1024xf32>
    %jit3A_943 = arith.constant 1024 : i32
    %broadcast_in_dim3A_944 = vector.broadcast %jit3A_943 : i32 to vector<64x1024xi32>
    %select_n3A_945 = arith.select %eq3A_942, %iota3A, %broadcast_in_dim3A_944 : vector<64x1024xi1>, vector<64x1024xi32>
    %reduce_min3A_946 = arith.constant dense<2147483647> : vector<64xi32>
    %reduce_min3A_947 = vector.multi_reduction <minsi>, %select_n3A_945, %reduce_min3A_946 [1] : vector<64x1024xi32> to vector<64xi32>
    %swap3A_948 = arith.constant 0 : index
    %swap3A_949 = arith.constant 0 : index
    %swap3A_950 = arith.constant 1472 : index
    %swap3A_951 = vector.load %arg4[%swap3A_948, %swap3A_949, %swap3A_950] : memref<1x1x2048xi32, #tpu.memory_space<vmem>>, vector<1x1x64xi32>
    %swap3A_952 = vector.shape_cast %swap3A_951 : vector<1x1x64xi32> to vector<64xi32>
    %swap3A_953 = vector.shape_cast %reduce_min3A_947 : vector<64xi32> to vector<1x1x64xi32>
    tpu.vector_store %arg4[%swap3A_948, %swap3A_949, %swap3A_950], %swap3A_953 {strides = array<i32>} : memref<1x1x2048xi32, #tpu.memory_space<vmem>>, vector<1x1x64xi32>,
    %mul3A_954 = arith.mulf %broadcast_in_dim3A_940, %broadcast_in_dim3A_940 : vector<64x1xf32>
    %swap3A_955 = arith.constant 1472 : index
    %swap3A_956 = arith.constant 0 : index
    %swap3A_957 = vector.load %arg9[%swap3A_955, %swap3A_956] : memref<2048x1xf32, #tpu.memory_space<vmem>>, vector<64x1xf32>
    tpu.vector_store %arg9[%swap3A_955, %swap3A_956], %mul3A_954 {strides = array<i32>} : memref<2048x1xf32, #tpu.memory_space<vmem>>, vector<64x1xf32>,
    %slice3A_958 = vector.extract_strided_slice %get3A_3 {offsets = [1536, 0], sizes = [64, 256], strides = [1, 1]} : vector<2048x256xf32> to vector<64x256xf32>
    %dot_general3A_959 = arith.constant dense<0.000000e+00> : vector<64x1024xf32>
    %dot_general3A_960 = tpu.matmul %slice3A_958, %get3A_50, %dot_general3A_959 {dimension_numbers = #tpu.dot_dimension_numbers<[1], [1], [0], [0], [0, 0, 1, 0], [], []>, transpose_lhs_hint = false} : vector<64x256xf32>, vector<1024x256xf32>, vector<64x1024xf32> -> vector<64x1024xf32>
    %get3A_961 = arith.constant 1536 : index
    %get3A_962 = arith.constant 0 : index
    %get3A_963 = vector.load %arg8[%get3A_961, %get3A_962] : memref<2048x1xf32, #tpu.memory_space<vmem>>, vector<64x1xf32>
    %add3A_964 = vector.broadcast %get3A_963 : vector<64x1xf32> to vector<64x1024xf32>
    %add3A_965 = vector.broadcast %get3A_53 : vector<1x1024xf32> to vector<64x1024xf32>
    %add3A_966 = arith.addf %add3A_964, %add3A_965 : vector<64x1024xf32>
    %mul3A_967 = arith.constant 2.000000e+00 : f32
    %mul3A_968 = vector.broadcast %mul3A_967 : f32 to vector<64x1024xf32>
    %mul3A_969 = arith.mulf %mul3A_968, %dot_general3A_960 : vector<64x1024xf32>
    %sub3A_970 = arith.subf %add3A_966, %mul3A_969 : vector<64x1024xf32>
    %max3A_971 = arith.constant 0.000000e+00 : f32
    %max3A_972 = vector.broadcast %max3A_971 : f32 to vector<64x1024xf32>
    %max3A_973 = arith.maximumf %sub3A_970, %max3A_972 : vector<64x1024xf32>
    %rsqrt3A_974 = math.rsqrt %max3A_973 : vector<64x1024xf32>
    %mul3A_975 = arith.mulf %max3A_973, %rsqrt3A_974 : vector<64x1024xf32>
    %reduce_min3A_976 = arith.constant dense<0x7F800000> : vector<64xf32>
    %reduce_min3A_977 = vector.multi_reduction <minimumf>, %mul3A_975, %reduce_min3A_976 [1] : vector<64x1024xf32> to vector<64xf32>
    %broadcast_in_dim3A_978 = vector.shape_cast %reduce_min3A_977 : vector<64xf32> to vector<64x1xf32>
    %eq3A_979 = vector.broadcast %broadcast_in_dim3A_978 : vector<64x1xf32> to vector<64x1024xf32>
    %eq3A_980 = arith.cmpf oeq, %mul3A_975, %eq3A_979 : vector<64x1024xf32>
    %jit3A_981 = arith.constant 1024 : i32
    %broadcast_in_dim3A_982 = vector.broadcast %jit3A_981 : i32 to vector<64x1024xi32>
    %select_n3A_983 = arith.select %eq3A_980, %iota3A, %broadcast_in_dim3A_982 : vector<64x1024xi1>, vector<64x1024xi32>
    %reduce_min3A_984 = arith.constant dense<2147483647> : vector<64xi32>
    %reduce_min3A_985 = vector.multi_reduction <minsi>, %select_n3A_983, %reduce_min3A_984 [1] : vector<64x1024xi32> to vector<64xi32>
    %swap3A_986 = arith.constant 0 : index
    %swap3A_987 = arith.constant 0 : index
    %swap3A_988 = arith.constant 1536 : index
    %swap3A_989 = vector.load %arg4[%swap3A_986, %swap3A_987, %swap3A_988] : memref<1x1x2048xi32, #tpu.memory_space<vmem>>, vector<1x1x64xi32>
    %swap3A_990 = vector.shape_cast %swap3A_989 : vector<1x1x64xi32> to vector<64xi32>
    %swap3A_991 = vector.shape_cast %reduce_min3A_985 : vector<64xi32> to vector<1x1x64xi32>
    tpu.vector_store %arg4[%swap3A_986, %swap3A_987, %swap3A_988], %swap3A_991 {strides = array<i32>} : memref<1x1x2048xi32, #tpu.memory_space<vmem>>, vector<1x1x64xi32>,
    %mul3A_992 = arith.mulf %broadcast_in_dim3A_978, %broadcast_in_dim3A_978 : vector<64x1xf32>
    %swap3A_993 = arith.constant 1536 : index
    %swap3A_994 = arith.constant 0 : index
    %swap3A_995 = vector.load %arg9[%swap3A_993, %swap3A_994] : memref<2048x1xf32, #tpu.memory_space<vmem>>, vector<64x1xf32>
    tpu.vector_store %arg9[%swap3A_993, %swap3A_994], %mul3A_992 {strides = array<i32>} : memref<2048x1xf32, #tpu.memory_space<vmem>>, vector<64x1xf32>,
    %slice3A_996 = vector.extract_strided_slice %get3A_3 {offsets = [1600, 0], sizes = [64, 256], strides = [1, 1]} : vector<2048x256xf32> to vector<64x256xf32>
    %dot_general3A_997 = arith.constant dense<0.000000e+00> : vector<64x1024xf32>
    %dot_general3A_998 = tpu.matmul %slice3A_996, %get3A_50, %dot_general3A_997 {dimension_numbers = #tpu.dot_dimension_numbers<[1], [1], [0], [0], [0, 0, 1, 0], [], []>, transpose_lhs_hint = false} : vector<64x256xf32>, vector<1024x256xf32>, vector<64x1024xf32> -> vector<64x1024xf32>
    %get3A_999 = arith.constant 1600 : index
    %get3A_1000 = arith.constant 0 : index
    %get3A_1001 = vector.load %arg8[%get3A_999, %get3A_1000] : memref<2048x1xf32, #tpu.memory_space<vmem>>, vector<64x1xf32>
    %add3A_1002 = vector.broadcast %get3A_1001 : vector<64x1xf32> to vector<64x1024xf32>
    %add3A_1003 = vector.broadcast %get3A_53 : vector<1x1024xf32> to vector<64x1024xf32>
    %add3A_1004 = arith.addf %add3A_1002, %add3A_1003 : vector<64x1024xf32>
    %mul3A_1005 = arith.constant 2.000000e+00 : f32
    %mul3A_1006 = vector.broadcast %mul3A_1005 : f32 to vector<64x1024xf32>
    %mul3A_1007 = arith.mulf %mul3A_1006, %dot_general3A_998 : vector<64x1024xf32>
    %sub3A_1008 = arith.subf %add3A_1004, %mul3A_1007 : vector<64x1024xf32>
    %max3A_1009 = arith.constant 0.000000e+00 : f32
    %max3A_1010 = vector.broadcast %max3A_1009 : f32 to vector<64x1024xf32>
    %max3A_1011 = arith.maximumf %sub3A_1008, %max3A_1010 : vector<64x1024xf32>
    %rsqrt3A_1012 = math.rsqrt %max3A_1011 : vector<64x1024xf32>
    %mul3A_1013 = arith.mulf %max3A_1011, %rsqrt3A_1012 : vector<64x1024xf32>
    %reduce_min3A_1014 = arith.constant dense<0x7F800000> : vector<64xf32>
    %reduce_min3A_1015 = vector.multi_reduction <minimumf>, %mul3A_1013, %reduce_min3A_1014 [1] : vector<64x1024xf32> to vector<64xf32>
    %broadcast_in_dim3A_1016 = vector.shape_cast %reduce_min3A_1015 : vector<64xf32> to vector<64x1xf32>
    %eq3A_1017 = vector.broadcast %broadcast_in_dim3A_1016 : vector<64x1xf32> to vector<64x1024xf32>
    %eq3A_1018 = arith.cmpf oeq, %mul3A_1013, %eq3A_1017 : vector<64x1024xf32>
    %jit3A_1019 = arith.constant 1024 : i32
    %broadcast_in_dim3A_1020 = vector.broadcast %jit3A_1019 : i32 to vector<64x1024xi32>
    %select_n3A_1021 = arith.select %eq3A_1018, %iota3A, %broadcast_in_dim3A_1020 : vector<64x1024xi1>, vector<64x1024xi32>
    %reduce_min3A_1022 = arith.constant dense<2147483647> : vector<64xi32>
    %reduce_min3A_1023 = vector.multi_reduction <minsi>, %select_n3A_1021, %reduce_min3A_1022 [1] : vector<64x1024xi32> to vector<64xi32>
    %swap3A_1024 = arith.constant 0 : index
    %swap3A_1025 = arith.constant 0 : index
    %swap3A_1026 = arith.constant 1600 : index
    %swap3A_1027 = vector.load %arg4[%swap3A_1024, %swap3A_1025, %swap3A_1026] : memref<1x1x2048xi32, #tpu.memory_space<vmem>>, vector<1x1x64xi32>
    %swap3A_1028 = vector.shape_cast %swap3A_1027 : vector<1x1x64xi32> to vector<64xi32>
    %swap3A_1029 = vector.shape_cast %reduce_min3A_1023 : vector<64xi32> to vector<1x1x64xi32>
    tpu.vector_store %arg4[%swap3A_1024, %swap3A_1025, %swap3A_1026], %swap3A_1029 {strides = array<i32>} : memref<1x1x2048xi32, #tpu.memory_space<vmem>>, vector<1x1x64xi32>,
    %mul3A_1030 = arith.mulf %broadcast_in_dim3A_1016, %broadcast_in_dim3A_1016 : vector<64x1xf32>
    %swap3A_1031 = arith.constant 1600 : index
    %swap3A_1032 = arith.constant 0 : index
    %swap3A_1033 = vector.load %arg9[%swap3A_1031, %swap3A_1032] : memref<2048x1xf32, #tpu.memory_space<vmem>>, vector<64x1xf32>
    tpu.vector_store %arg9[%swap3A_1031, %swap3A_1032], %mul3A_1030 {strides = array<i32>} : memref<2048x1xf32, #tpu.memory_space<vmem>>, vector<64x1xf32>,
    %slice3A_1034 = vector.extract_strided_slice %get3A_3 {offsets = [1664, 0], sizes = [64, 256], strides = [1, 1]} : vector<2048x256xf32> to vector<64x256xf32>
    %dot_general3A_1035 = arith.constant dense<0.000000e+00> : vector<64x1024xf32>
    %dot_general3A_1036 = tpu.matmul %slice3A_1034, %get3A_50, %dot_general3A_1035 {dimension_numbers = #tpu.dot_dimension_numbers<[1], [1], [0], [0], [0, 0, 1, 0], [], []>, transpose_lhs_hint = false} : vector<64x256xf32>, vector<1024x256xf32>, vector<64x1024xf32> -> vector<64x1024xf32>
    %get3A_1037 = arith.constant 1664 : index
    %get3A_1038 = arith.constant 0 : index
    %get3A_1039 = vector.load %arg8[%get3A_1037, %get3A_1038] : memref<2048x1xf32, #tpu.memory_space<vmem>>, vector<64x1xf32>
    %add3A_1040 = vector.broadcast %get3A_1039 : vector<64x1xf32> to vector<64x1024xf32>
    %add3A_1041 = vector.broadcast %get3A_53 : vector<1x1024xf32> to vector<64x1024xf32>
    %add3A_1042 = arith.addf %add3A_1040, %add3A_1041 : vector<64x1024xf32>
    %mul3A_1043 = arith.constant 2.000000e+00 : f32
    %mul3A_1044 = vector.broadcast %mul3A_1043 : f32 to vector<64x1024xf32>
    %mul3A_1045 = arith.mulf %mul3A_1044, %dot_general3A_1036 : vector<64x1024xf32>
    %sub3A_1046 = arith.subf %add3A_1042, %mul3A_1045 : vector<64x1024xf32>
    %max3A_1047 = arith.constant 0.000000e+00 : f32
    %max3A_1048 = vector.broadcast %max3A_1047 : f32 to vector<64x1024xf32>
    %max3A_1049 = arith.maximumf %sub3A_1046, %max3A_1048 : vector<64x1024xf32>
    %rsqrt3A_1050 = math.rsqrt %max3A_1049 : vector<64x1024xf32>
    %mul3A_1051 = arith.mulf %max3A_1049, %rsqrt3A_1050 : vector<64x1024xf32>
    %reduce_min3A_1052 = arith.constant dense<0x7F800000> : vector<64xf32>
    %reduce_min3A_1053 = vector.multi_reduction <minimumf>, %mul3A_1051, %reduce_min3A_1052 [1] : vector<64x1024xf32> to vector<64xf32>
    %broadcast_in_dim3A_1054 = vector.shape_cast %reduce_min3A_1053 : vector<64xf32> to vector<64x1xf32>
    %eq3A_1055 = vector.broadcast %broadcast_in_dim3A_1054 : vector<64x1xf32> to vector<64x1024xf32>
    %eq3A_1056 = arith.cmpf oeq, %mul3A_1051, %eq3A_1055 : vector<64x1024xf32>
    %jit3A_1057 = arith.constant 1024 : i32
    %broadcast_in_dim3A_1058 = vector.broadcast %jit3A_1057 : i32 to vector<64x1024xi32>
    %select_n3A_1059 = arith.select %eq3A_1056, %iota3A, %broadcast_in_dim3A_1058 : vector<64x1024xi1>, vector<64x1024xi32>
    %reduce_min3A_1060 = arith.constant dense<2147483647> : vector<64xi32>
    %reduce_min3A_1061 = vector.multi_reduction <minsi>, %select_n3A_1059, %reduce_min3A_1060 [1] : vector<64x1024xi32> to vector<64xi32>
    %swap3A_1062 = arith.constant 0 : index
    %swap3A_1063 = arith.constant 0 : index
    %swap3A_1064 = arith.constant 1664 : index
    %swap3A_1065 = vector.load %arg4[%swap3A_1062, %swap3A_1063, %swap3A_1064] : memref<1x1x2048xi32, #tpu.memory_space<vmem>>, vector<1x1x64xi32>
    %swap3A_1066 = vector.shape_cast %swap3A_1065 : vector<1x1x64xi32> to vector<64xi32>
    %swap3A_1067 = vector.shape_cast %reduce_min3A_1061 : vector<64xi32> to vector<1x1x64xi32>
    tpu.vector_store %arg4[%swap3A_1062, %swap3A_1063, %swap3A_1064], %swap3A_1067 {strides = array<i32>} : memref<1x1x2048xi32, #tpu.memory_space<vmem>>, vector<1x1x64xi32>,
    %mul3A_1068 = arith.mulf %broadcast_in_dim3A_1054, %broadcast_in_dim3A_1054 : vector<64x1xf32>
    %swap3A_1069 = arith.constant 1664 : index
    %swap3A_1070 = arith.constant 0 : index
    %swap3A_1071 = vector.load %arg9[%swap3A_1069, %swap3A_1070] : memref<2048x1xf32, #tpu.memory_space<vmem>>, vector<64x1xf32>
    tpu.vector_store %arg9[%swap3A_1069, %swap3A_1070], %mul3A_1068 {strides = array<i32>} : memref<2048x1xf32, #tpu.memory_space<vmem>>, vector<64x1xf32>,
    %slice3A_1072 = vector.extract_strided_slice %get3A_3 {offsets = [1728, 0], sizes = [64, 256], strides = [1, 1]} : vector<2048x256xf32> to vector<64x256xf32>
    %dot_general3A_1073 = arith.constant dense<0.000000e+00> : vector<64x1024xf32>
    %dot_general3A_1074 = tpu.matmul %slice3A_1072, %get3A_50, %dot_general3A_1073 {dimension_numbers = #tpu.dot_dimension_numbers<[1], [1], [0], [0], [0, 0, 1, 0], [], []>, transpose_lhs_hint = false} : vector<64x256xf32>, vector<1024x256xf32>, vector<64x1024xf32> -> vector<64x1024xf32>
    %get3A_1075 = arith.constant 1728 : index
    %get3A_1076 = arith.constant 0 : index
    %get3A_1077 = vector.load %arg8[%get3A_1075, %get3A_1076] : memref<2048x1xf32, #tpu.memory_space<vmem>>, vector<64x1xf32>
    %add3A_1078 = vector.broadcast %get3A_1077 : vector<64x1xf32> to vector<64x1024xf32>
    %add3A_1079 = vector.broadcast %get3A_53 : vector<1x1024xf32> to vector<64x1024xf32>
    %add3A_1080 = arith.addf %add3A_1078, %add3A_1079 : vector<64x1024xf32>
    %mul3A_1081 = arith.constant 2.000000e+00 : f32
    %mul3A_1082 = vector.broadcast %mul3A_1081 : f32 to vector<64x1024xf32>
    %mul3A_1083 = arith.mulf %mul3A_1082, %dot_general3A_1074 : vector<64x1024xf32>
    %sub3A_1084 = arith.subf %add3A_1080, %mul3A_1083 : vector<64x1024xf32>
    %max3A_1085 = arith.constant 0.000000e+00 : f32
    %max3A_1086 = vector.broadcast %max3A_1085 : f32 to vector<64x1024xf32>
    %max3A_1087 = arith.maximumf %sub3A_1084, %max3A_1086 : vector<64x1024xf32>
    %rsqrt3A_1088 = math.rsqrt %max3A_1087 : vector<64x1024xf32>
    %mul3A_1089 = arith.mulf %max3A_1087, %rsqrt3A_1088 : vector<64x1024xf32>
    %reduce_min3A_1090 = arith.constant dense<0x7F800000> : vector<64xf32>
    %reduce_min3A_1091 = vector.multi_reduction <minimumf>, %mul3A_1089, %reduce_min3A_1090 [1] : vector<64x1024xf32> to vector<64xf32>
    %broadcast_in_dim3A_1092 = vector.shape_cast %reduce_min3A_1091 : vector<64xf32> to vector<64x1xf32>
    %eq3A_1093 = vector.broadcast %broadcast_in_dim3A_1092 : vector<64x1xf32> to vector<64x1024xf32>
    %eq3A_1094 = arith.cmpf oeq, %mul3A_1089, %eq3A_1093 : vector<64x1024xf32>
    %jit3A_1095 = arith.constant 1024 : i32
    %broadcast_in_dim3A_1096 = vector.broadcast %jit3A_1095 : i32 to vector<64x1024xi32>
    %select_n3A_1097 = arith.select %eq3A_1094, %iota3A, %broadcast_in_dim3A_1096 : vector<64x1024xi1>, vector<64x1024xi32>
    %reduce_min3A_1098 = arith.constant dense<2147483647> : vector<64xi32>
    %reduce_min3A_1099 = vector.multi_reduction <minsi>, %select_n3A_1097, %reduce_min3A_1098 [1] : vector<64x1024xi32> to vector<64xi32>
    %swap3A_1100 = arith.constant 0 : index
    %swap3A_1101 = arith.constant 0 : index
    %swap3A_1102 = arith.constant 1728 : index
    %swap3A_1103 = vector.load %arg4[%swap3A_1100, %swap3A_1101, %swap3A_1102] : memref<1x1x2048xi32, #tpu.memory_space<vmem>>, vector<1x1x64xi32>
    %swap3A_1104 = vector.shape_cast %swap3A_1103 : vector<1x1x64xi32> to vector<64xi32>
    %swap3A_1105 = vector.shape_cast %reduce_min3A_1099 : vector<64xi32> to vector<1x1x64xi32>
    tpu.vector_store %arg4[%swap3A_1100, %swap3A_1101, %swap3A_1102], %swap3A_1105 {strides = array<i32>} : memref<1x1x2048xi32, #tpu.memory_space<vmem>>, vector<1x1x64xi32>,
    %mul3A_1106 = arith.mulf %broadcast_in_dim3A_1092, %broadcast_in_dim3A_1092 : vector<64x1xf32>
    %swap3A_1107 = arith.constant 1728 : index
    %swap3A_1108 = arith.constant 0 : index
    %swap3A_1109 = vector.load %arg9[%swap3A_1107, %swap3A_1108] : memref<2048x1xf32, #tpu.memory_space<vmem>>, vector<64x1xf32>
    tpu.vector_store %arg9[%swap3A_1107, %swap3A_1108], %mul3A_1106 {strides = array<i32>} : memref<2048x1xf32, #tpu.memory_space<vmem>>, vector<64x1xf32>,
    %slice3A_1110 = vector.extract_strided_slice %get3A_3 {offsets = [1792, 0], sizes = [64, 256], strides = [1, 1]} : vector<2048x256xf32> to vector<64x256xf32>
    %dot_general3A_1111 = arith.constant dense<0.000000e+00> : vector<64x1024xf32>
    %dot_general3A_1112 = tpu.matmul %slice3A_1110, %get3A_50, %dot_general3A_1111 {dimension_numbers = #tpu.dot_dimension_numbers<[1], [1], [0], [0], [0, 0, 1, 0], [], []>, transpose_lhs_hint = false} : vector<64x256xf32>, vector<1024x256xf32>, vector<64x1024xf32> -> vector<64x1024xf32>
    %get3A_1113 = arith.constant 1792 : index
    %get3A_1114 = arith.constant 0 : index
    %get3A_1115 = vector.load %arg8[%get3A_1113, %get3A_1114] : memref<2048x1xf32, #tpu.memory_space<vmem>>, vector<64x1xf32>
    %add3A_1116 = vector.broadcast %get3A_1115 : vector<64x1xf32> to vector<64x1024xf32>
    %add3A_1117 = vector.broadcast %get3A_53 : vector<1x1024xf32> to vector<64x1024xf32>
    %add3A_1118 = arith.addf %add3A_1116, %add3A_1117 : vector<64x1024xf32>
    %mul3A_1119 = arith.constant 2.000000e+00 : f32
    %mul3A_1120 = vector.broadcast %mul3A_1119 : f32 to vector<64x1024xf32>
    %mul3A_1121 = arith.mulf %mul3A_1120, %dot_general3A_1112 : vector<64x1024xf32>
    %sub3A_1122 = arith.subf %add3A_1118, %mul3A_1121 : vector<64x1024xf32>
    %max3A_1123 = arith.constant 0.000000e+00 : f32
    %max3A_1124 = vector.broadcast %max3A_1123 : f32 to vector<64x1024xf32>
    %max3A_1125 = arith.maximumf %sub3A_1122, %max3A_1124 : vector<64x1024xf32>
    %rsqrt3A_1126 = math.rsqrt %max3A_1125 : vector<64x1024xf32>
    %mul3A_1127 = arith.mulf %max3A_1125, %rsqrt3A_1126 : vector<64x1024xf32>
    %reduce_min3A_1128 = arith.constant dense<0x7F800000> : vector<64xf32>
    %reduce_min3A_1129 = vector.multi_reduction <minimumf>, %mul3A_1127, %reduce_min3A_1128 [1] : vector<64x1024xf32> to vector<64xf32>
    %broadcast_in_dim3A_1130 = vector.shape_cast %reduce_min3A_1129 : vector<64xf32> to vector<64x1xf32>
    %eq3A_1131 = vector.broadcast %broadcast_in_dim3A_1130 : vector<64x1xf32> to vector<64x1024xf32>
    %eq3A_1132 = arith.cmpf oeq, %mul3A_1127, %eq3A_1131 : vector<64x1024xf32>
    %jit3A_1133 = arith.constant 1024 : i32
    %broadcast_in_dim3A_1134 = vector.broadcast %jit3A_1133 : i32 to vector<64x1024xi32>
    %select_n3A_1135 = arith.select %eq3A_1132, %iota3A, %broadcast_in_dim3A_1134 : vector<64x1024xi1>, vector<64x1024xi32>
    %reduce_min3A_1136 = arith.constant dense<2147483647> : vector<64xi32>
    %reduce_min3A_1137 = vector.multi_reduction <minsi>, %select_n3A_1135, %reduce_min3A_1136 [1] : vector<64x1024xi32> to vector<64xi32>
    %swap3A_1138 = arith.constant 0 : index
    %swap3A_1139 = arith.constant 0 : index
    %swap3A_1140 = arith.constant 1792 : index
    %swap3A_1141 = vector.load %arg4[%swap3A_1138, %swap3A_1139, %swap3A_1140] : memref<1x1x2048xi32, #tpu.memory_space<vmem>>, vector<1x1x64xi32>
    %swap3A_1142 = vector.shape_cast %swap3A_1141 : vector<1x1x64xi32> to vector<64xi32>
    %swap3A_1143 = vector.shape_cast %reduce_min3A_1137 : vector<64xi32> to vector<1x1x64xi32>
    tpu.vector_store %arg4[%swap3A_1138, %swap3A_1139, %swap3A_1140], %swap3A_1143 {strides = array<i32>} : memref<1x1x2048xi32, #tpu.memory_space<vmem>>, vector<1x1x64xi32>,
    %mul3A_1144 = arith.mulf %broadcast_in_dim3A_1130, %broadcast_in_dim3A_1130 : vector<64x1xf32>
    %swap3A_1145 = arith.constant 1792 : index
    %swap3A_1146 = arith.constant 0 : index
    %swap3A_1147 = vector.load %arg9[%swap3A_1145, %swap3A_1146] : memref<2048x1xf32, #tpu.memory_space<vmem>>, vector<64x1xf32>
    tpu.vector_store %arg9[%swap3A_1145, %swap3A_1146], %mul3A_1144 {strides = array<i32>} : memref<2048x1xf32, #tpu.memory_space<vmem>>, vector<64x1xf32>,
    %slice3A_1148 = vector.extract_strided_slice %get3A_3 {offsets = [1856, 0], sizes = [64, 256], strides = [1, 1]} : vector<2048x256xf32> to vector<64x256xf32>
    %dot_general3A_1149 = arith.constant dense<0.000000e+00> : vector<64x1024xf32>
    %dot_general3A_1150 = tpu.matmul %slice3A_1148, %get3A_50, %dot_general3A_1149 {dimension_numbers = #tpu.dot_dimension_numbers<[1], [1], [0], [0], [0, 0, 1, 0], [], []>, transpose_lhs_hint = false} : vector<64x256xf32>, vector<1024x256xf32>, vector<64x1024xf32> -> vector<64x1024xf32>
    %get3A_1151 = arith.constant 1856 : index
    %get3A_1152 = arith.constant 0 : index
    %get3A_1153 = vector.load %arg8[%get3A_1151, %get3A_1152] : memref<2048x1xf32, #tpu.memory_space<vmem>>, vector<64x1xf32>
    %add3A_1154 = vector.broadcast %get3A_1153 : vector<64x1xf32> to vector<64x1024xf32>
    %add3A_1155 = vector.broadcast %get3A_53 : vector<1x1024xf32> to vector<64x1024xf32>
    %add3A_1156 = arith.addf %add3A_1154, %add3A_1155 : vector<64x1024xf32>
    %mul3A_1157 = arith.constant 2.000000e+00 : f32
    %mul3A_1158 = vector.broadcast %mul3A_1157 : f32 to vector<64x1024xf32>
    %mul3A_1159 = arith.mulf %mul3A_1158, %dot_general3A_1150 : vector<64x1024xf32>
    %sub3A_1160 = arith.subf %add3A_1156, %mul3A_1159 : vector<64x1024xf32>
    %max3A_1161 = arith.constant 0.000000e+00 : f32
    %max3A_1162 = vector.broadcast %max3A_1161 : f32 to vector<64x1024xf32>
    %max3A_1163 = arith.maximumf %sub3A_1160, %max3A_1162 : vector<64x1024xf32>
    %rsqrt3A_1164 = math.rsqrt %max3A_1163 : vector<64x1024xf32>
    %mul3A_1165 = arith.mulf %max3A_1163, %rsqrt3A_1164 : vector<64x1024xf32>
    %reduce_min3A_1166 = arith.constant dense<0x7F800000> : vector<64xf32>
    %reduce_min3A_1167 = vector.multi_reduction <minimumf>, %mul3A_1165, %reduce_min3A_1166 [1] : vector<64x1024xf32> to vector<64xf32>
    %broadcast_in_dim3A_1168 = vector.shape_cast %reduce_min3A_1167 : vector<64xf32> to vector<64x1xf32>
    %eq3A_1169 = vector.broadcast %broadcast_in_dim3A_1168 : vector<64x1xf32> to vector<64x1024xf32>
    %eq3A_1170 = arith.cmpf oeq, %mul3A_1165, %eq3A_1169 : vector<64x1024xf32>
    %jit3A_1171 = arith.constant 1024 : i32
    %broadcast_in_dim3A_1172 = vector.broadcast %jit3A_1171 : i32 to vector<64x1024xi32>
    %select_n3A_1173 = arith.select %eq3A_1170, %iota3A, %broadcast_in_dim3A_1172 : vector<64x1024xi1>, vector<64x1024xi32>
    %reduce_min3A_1174 = arith.constant dense<2147483647> : vector<64xi32>
    %reduce_min3A_1175 = vector.multi_reduction <minsi>, %select_n3A_1173, %reduce_min3A_1174 [1] : vector<64x1024xi32> to vector<64xi32>
    %swap3A_1176 = arith.constant 0 : index
    %swap3A_1177 = arith.constant 0 : index
    %swap3A_1178 = arith.constant 1856 : index
    %swap3A_1179 = vector.load %arg4[%swap3A_1176, %swap3A_1177, %swap3A_1178] : memref<1x1x2048xi32, #tpu.memory_space<vmem>>, vector<1x1x64xi32>
    %swap3A_1180 = vector.shape_cast %swap3A_1179 : vector<1x1x64xi32> to vector<64xi32>
    %swap3A_1181 = vector.shape_cast %reduce_min3A_1175 : vector<64xi32> to vector<1x1x64xi32>
    tpu.vector_store %arg4[%swap3A_1176, %swap3A_1177, %swap3A_1178], %swap3A_1181 {strides = array<i32>} : memref<1x1x2048xi32, #tpu.memory_space<vmem>>, vector<1x1x64xi32>,
    %mul3A_1182 = arith.mulf %broadcast_in_dim3A_1168, %broadcast_in_dim3A_1168 : vector<64x1xf32>
    %swap3A_1183 = arith.constant 1856 : index
    %swap3A_1184 = arith.constant 0 : index
    %swap3A_1185 = vector.load %arg9[%swap3A_1183, %swap3A_1184] : memref<2048x1xf32, #tpu.memory_space<vmem>>, vector<64x1xf32>
    tpu.vector_store %arg9[%swap3A_1183, %swap3A_1184], %mul3A_1182 {strides = array<i32>} : memref<2048x1xf32, #tpu.memory_space<vmem>>, vector<64x1xf32>,
    %slice3A_1186 = vector.extract_strided_slice %get3A_3 {offsets = [1920, 0], sizes = [64, 256], strides = [1, 1]} : vector<2048x256xf32> to vector<64x256xf32>
    %dot_general3A_1187 = arith.constant dense<0.000000e+00> : vector<64x1024xf32>
    %dot_general3A_1188 = tpu.matmul %slice3A_1186, %get3A_50, %dot_general3A_1187 {dimension_numbers = #tpu.dot_dimension_numbers<[1], [1], [0], [0], [0, 0, 1, 0], [], []>, transpose_lhs_hint = false} : vector<64x256xf32>, vector<1024x256xf32>, vector<64x1024xf32> -> vector<64x1024xf32>
    %get3A_1189 = arith.constant 1920 : index
    %get3A_1190 = arith.constant 0 : index
    %get3A_1191 = vector.load %arg8[%get3A_1189, %get3A_1190] : memref<2048x1xf32, #tpu.memory_space<vmem>>, vector<64x1xf32>
    %add3A_1192 = vector.broadcast %get3A_1191 : vector<64x1xf32> to vector<64x1024xf32>
    %add3A_1193 = vector.broadcast %get3A_53 : vector<1x1024xf32> to vector<64x1024xf32>
    %add3A_1194 = arith.addf %add3A_1192, %add3A_1193 : vector<64x1024xf32>
    %mul3A_1195 = arith.constant 2.000000e+00 : f32
    %mul3A_1196 = vector.broadcast %mul3A_1195 : f32 to vector<64x1024xf32>
    %mul3A_1197 = arith.mulf %mul3A_1196, %dot_general3A_1188 : vector<64x1024xf32>
    %sub3A_1198 = arith.subf %add3A_1194, %mul3A_1197 : vector<64x1024xf32>
    %max3A_1199 = arith.constant 0.000000e+00 : f32
    %max3A_1200 = vector.broadcast %max3A_1199 : f32 to vector<64x1024xf32>
    %max3A_1201 = arith.maximumf %sub3A_1198, %max3A_1200 : vector<64x1024xf32>
    %rsqrt3A_1202 = math.rsqrt %max3A_1201 : vector<64x1024xf32>
    %mul3A_1203 = arith.mulf %max3A_1201, %rsqrt3A_1202 : vector<64x1024xf32>
    %reduce_min3A_1204 = arith.constant dense<0x7F800000> : vector<64xf32>
    %reduce_min3A_1205 = vector.multi_reduction <minimumf>, %mul3A_1203, %reduce_min3A_1204 [1] : vector<64x1024xf32> to vector<64xf32>
    %broadcast_in_dim3A_1206 = vector.shape_cast %reduce_min3A_1205 : vector<64xf32> to vector<64x1xf32>
    %eq3A_1207 = vector.broadcast %broadcast_in_dim3A_1206 : vector<64x1xf32> to vector<64x1024xf32>
    %eq3A_1208 = arith.cmpf oeq, %mul3A_1203, %eq3A_1207 : vector<64x1024xf32>
    %jit3A_1209 = arith.constant 1024 : i32
    %broadcast_in_dim3A_1210 = vector.broadcast %jit3A_1209 : i32 to vector<64x1024xi32>
    %select_n3A_1211 = arith.select %eq3A_1208, %iota3A, %broadcast_in_dim3A_1210 : vector<64x1024xi1>, vector<64x1024xi32>
    %reduce_min3A_1212 = arith.constant dense<2147483647> : vector<64xi32>
    %reduce_min3A_1213 = vector.multi_reduction <minsi>, %select_n3A_1211, %reduce_min3A_1212 [1] : vector<64x1024xi32> to vector<64xi32>
    %swap3A_1214 = arith.constant 0 : index
    %swap3A_1215 = arith.constant 0 : index
    %swap3A_1216 = arith.constant 1920 : index
    %swap3A_1217 = vector.load %arg4[%swap3A_1214, %swap3A_1215, %swap3A_1216] : memref<1x1x2048xi32, #tpu.memory_space<vmem>>, vector<1x1x64xi32>
    %swap3A_1218 = vector.shape_cast %swap3A_1217 : vector<1x1x64xi32> to vector<64xi32>
    %swap3A_1219 = vector.shape_cast %reduce_min3A_1213 : vector<64xi32> to vector<1x1x64xi32>
    tpu.vector_store %arg4[%swap3A_1214, %swap3A_1215, %swap3A_1216], %swap3A_1219 {strides = array<i32>} : memref<1x1x2048xi32, #tpu.memory_space<vmem>>, vector<1x1x64xi32>,
    %mul3A_1220 = arith.mulf %broadcast_in_dim3A_1206, %broadcast_in_dim3A_1206 : vector<64x1xf32>
    %swap3A_1221 = arith.constant 1920 : index
    %swap3A_1222 = arith.constant 0 : index
    %swap3A_1223 = vector.load %arg9[%swap3A_1221, %swap3A_1222] : memref<2048x1xf32, #tpu.memory_space<vmem>>, vector<64x1xf32>
    tpu.vector_store %arg9[%swap3A_1221, %swap3A_1222], %mul3A_1220 {strides = array<i32>} : memref<2048x1xf32, #tpu.memory_space<vmem>>, vector<64x1xf32>,
    %slice3A_1224 = vector.extract_strided_slice %get3A_3 {offsets = [1984, 0], sizes = [64, 256], strides = [1, 1]} : vector<2048x256xf32> to vector<64x256xf32>
    %dot_general3A_1225 = arith.constant dense<0.000000e+00> : vector<64x1024xf32>
    %dot_general3A_1226 = tpu.matmul %slice3A_1224, %get3A_50, %dot_general3A_1225 {dimension_numbers = #tpu.dot_dimension_numbers<[1], [1], [0], [0], [0, 0, 1, 0], [], []>, transpose_lhs_hint = false} : vector<64x256xf32>, vector<1024x256xf32>, vector<64x1024xf32> -> vector<64x1024xf32>
    %get3A_1227 = arith.constant 1984 : index
    %get3A_1228 = arith.constant 0 : index
    %get3A_1229 = vector.load %arg8[%get3A_1227, %get3A_1228] : memref<2048x1xf32, #tpu.memory_space<vmem>>, vector<64x1xf32>
    %add3A_1230 = vector.broadcast %get3A_1229 : vector<64x1xf32> to vector<64x1024xf32>
    %add3A_1231 = vector.broadcast %get3A_53 : vector<1x1024xf32> to vector<64x1024xf32>
    %add3A_1232 = arith.addf %add3A_1230, %add3A_1231 : vector<64x1024xf32>
    %mul3A_1233 = arith.constant 2.000000e+00 : f32
    %mul3A_1234 = vector.broadcast %mul3A_1233 : f32 to vector<64x1024xf32>
    %mul3A_1235 = arith.mulf %mul3A_1234, %dot_general3A_1226 : vector<64x1024xf32>
    %sub3A_1236 = arith.subf %add3A_1232, %mul3A_1235 : vector<64x1024xf32>
    %max3A_1237 = arith.constant 0.000000e+00 : f32
    %max3A_1238 = vector.broadcast %max3A_1237 : f32 to vector<64x1024xf32>
    %max3A_1239 = arith.maximumf %sub3A_1236, %max3A_1238 : vector<64x1024xf32>
    %rsqrt3A_1240 = math.rsqrt %max3A_1239 : vector<64x1024xf32>
    %mul3A_1241 = arith.mulf %max3A_1239, %rsqrt3A_1240 : vector<64x1024xf32>
    %reduce_min3A_1242 = arith.constant dense<0x7F800000> : vector<64xf32>
    %reduce_min3A_1243 = vector.multi_reduction <minimumf>, %mul3A_1241, %reduce_min3A_1242 [1] : vector<64x1024xf32> to vector<64xf32>
    %broadcast_in_dim3A_1244 = vector.shape_cast %reduce_min3A_1243 : vector<64xf32> to vector<64x1xf32>
    %eq3A_1245 = vector.broadcast %broadcast_in_dim3A_1244 : vector<64x1xf32> to vector<64x1024xf32>
    %eq3A_1246 = arith.cmpf oeq, %mul3A_1241, %eq3A_1245 : vector<64x1024xf32>
    %jit3A_1247 = arith.constant 1024 : i32
    %broadcast_in_dim3A_1248 = vector.broadcast %jit3A_1247 : i32 to vector<64x1024xi32>
    %select_n3A_1249 = arith.select %eq3A_1246, %iota3A, %broadcast_in_dim3A_1248 : vector<64x1024xi1>, vector<64x1024xi32>
    %reduce_min3A_1250 = arith.constant dense<2147483647> : vector<64xi32>
    %reduce_min3A_1251 = vector.multi_reduction <minsi>, %select_n3A_1249, %reduce_min3A_1250 [1] : vector<64x1024xi32> to vector<64xi32>
    %swap3A_1252 = arith.constant 0 : index
    %swap3A_1253 = arith.constant 0 : index
    %swap3A_1254 = arith.constant 1984 : index
    %swap3A_1255 = vector.load %arg4[%swap3A_1252, %swap3A_1253, %swap3A_1254] : memref<1x1x2048xi32, #tpu.memory_space<vmem>>, vector<1x1x64xi32>
    %swap3A_1256 = vector.shape_cast %swap3A_1255 : vector<1x1x64xi32> to vector<64xi32>
    %swap3A_1257 = vector.shape_cast %reduce_min3A_1251 : vector<64xi32> to vector<1x1x64xi32>
    tpu.vector_store %arg4[%swap3A_1252, %swap3A_1253, %swap3A_1254], %swap3A_1257 {strides = array<i32>} : memref<1x1x2048xi32, #tpu.memory_space<vmem>>, vector<1x1x64xi32>,
    %mul3A_1258 = arith.mulf %broadcast_in_dim3A_1244, %broadcast_in_dim3A_1244 : vector<64x1xf32>
    %swap3A_1259 = arith.constant 1984 : index
    %swap3A_1260 = arith.constant 0 : index
    %swap3A_1261 = vector.load %arg9[%swap3A_1259, %swap3A_1260] : memref<2048x1xf32, #tpu.memory_space<vmem>>, vector<64x1xf32>
    tpu.vector_store %arg9[%swap3A_1259, %swap3A_1260], %mul3A_1258 {strides = array<i32>} : memref<2048x1xf32, #tpu.memory_space<vmem>>, vector<64x1xf32>,
    %get3A_1262 = arith.constant 0 : index
    %get3A_1263 = arith.constant 0 : index
    %get3A_1264 = memref.load %arg5[%get3A_1262, %get3A_1263] : memref<1x1xf32, #tpu.memory_space<smem>>
    %get3A_1265 = arith.constant 0 : index
    %get3A_1266 = arith.constant 0 : index
    %get3A_1267 = vector.load %arg9[%get3A_1265, %get3A_1266] : memref<2048x1xf32, #tpu.memory_space<vmem>>, vector<2048x1xf32>
    %reduce_sum3A = vector.shape_cast %get3A_1267 : vector<2048x1xf32> to vector<1x2048x1xf32>
    %reduce_sum3A_1268 = arith.constant dense<0.000000e+00> : vector<1xf32>
    %reduce_sum3A_1269 = vector.multi_reduction <add>, %reduce_sum3A, %reduce_sum3A_1268 [1, 2] : vector<1x2048x1xf32> to vector<1xf32>
    %reduce_sum3A_1270 = vector.shape_cast %reduce_sum3A_1269 : vector<1xf32> to vector<1x1x1xf32>
    %reduce_sum3A_1271 = vector.extract %reduce_sum3A_1270[0, 0, 0] : f32 from vector<1x1x1xf32>
    %add3A_1272 = arith.addf %get3A_1264, %reduce_sum3A_1271 : f32
    %swap3A_1273 = arith.constant 0 : index
    %swap3A_1274 = arith.constant 0 : index
    %swap3A_1275 = memref.load %arg5[%swap3A_1273, %swap3A_1274] : memref<1x1xf32, #tpu.memory_space<smem>>
    memref.store %add3A_1272, %arg5[%swap3A_1273, %swap3A_1274] : memref<1x1xf32, #tpu.memory_space<smem>>
    return
  }
  func.func @transform_0(%arg0: i32) -> (i32, i32) {
    %c0_i32 = arith.constant 0 : i32
    %c0_i32_0 = arith.constant 0 : i32
    return %arg0, %c0_i32 : i32, i32
  }
  func.func @transform_1(%arg0: i32) -> (i32, i32) {
    %c0_i32 = arith.constant 0 : i32
    %c0_i32_0 = arith.constant 0 : i32
    %c0_i32_1 = arith.constant 0 : i32
    return %c0_i32, %c0_i32_0 : i32, i32
  }
  func.func @transform_2(%arg0: i32) -> (i32, i32) {
    %c0_i32 = arith.constant 0 : i32
    %c0_i32_0 = arith.constant 0 : i32
    %c0_i32_1 = arith.constant 0 : i32
    return %c0_i32, %c0_i32_0 : i32, i32
  }
  func.func @transform_3(%arg0: i32) -> (i32, i32, i32) {
    %c0_i32 = arith.constant 0 : i32
    %c0_i32_0 = arith.constant 0 : i32
    %c0_i32_1 = arith.constant 0 : i32
    return %arg0, %c0_i32, %c0_i32_0 : i32, i32, i32
  }
  func.func @transform_4(%arg0: i32) -> (i32, i32) {
    %c0_i32 = arith.constant 0 : i32
    %c0_i32_0 = arith.constant 0 : i32
    %c0_i32_1 = arith.constant 0 : i32
    return %c0_i32, %c0_i32_0 : i32, i32
  }
  func.func @transform_5(%arg0: i32) -> (i32, i32) {
    %c0_i32 = arith.constant 0 : i32
    %c0_i32_0 = arith.constant 0 : i32
    %c0_i32_1 = arith.constant 0 : i32
    return %c0_i32, %c0_i32_0 : i32, i32
  }
}

</mosaic_0001>

<sc_bundles>
// kernel: kernel.4.cloned.1.call-start
scs
__scs_entry_jumppad:
0x0: {  	(pc) =	sbr.rel $0x88, $3  }
0x1: {  	(tag) =	ssettag $0x0;
	lr =	simm.s32 $0x1  }
0x2: {  	[smem:$0x3F9E] =	sst lr;
	_ =	strace $0xD0000000  }
0x3: {  	_ = 	snop  }
0x4: {  	_ = 	snop  }
0x5: {  	_ = 	snop  }
0x6: {  	_ = 	snop  }
0x7: {  	_ = 	snop  }
__scs_overlays_trampoline_lowered:
0x8: {  	[smem:$0x3FAD] =	sst s0  }
0x9: {  	[smem:$0x3FAE] =	sst s1  }
0xa: {  	[smem:$0x3FAF] =	sst s2  }
0xb: {  	[smem:$0x3FB0] =	sst s3  }
0xc: {  	[smem:$0x3FB1] =	sst s4  }
0xd: {  	[smem:$0x3FB2] =	sst s5  }
0xe: {  	[smem:$0x3FB3] =	sst s6  }
0xf: {  	[smem:$0x3FB4] =	sst s7  }
0x10: {  	[smem:$0x3FB5] =	sst s8  }
0x11: {  	[smem:$0x3FB6] =	sst s9;
	s0 =	simm.s32 @!p0 $0x0  }
0x12: {  	s1 =	sld [smem:$0x3F9C];
	s0 =	simm.s32 @p0 $0x1  }
0x13: {  	[smem:$0x3FB7] =	sst s0;
	s0 =	simm.s32 @!p1 $0x0  }
0x14: {  	s2 =	sld [smem:$0x3F9B];
	s0 =	simm.s32 @p1 $0x1  }
0x15: {  	[smem:$0x3FB8] =	sst s0;
	s0 =	simm.s32 @!p2 $0x0  }
0x16: {  	s3 =	sld [smem:$0x3FDB];
	s0 =	simm.s32 @p2 $0x1  }
0x17: {  	s4 =	simm.s32 $0x1BF5;
	[smem:$0x3FBA] =	sst s0  }
0x18: {  	s0 =	sld [smem:$0x3F9D];
	_ =	swait.ge [sflag:s4], $0x0  }
0x19: {  	s7 =	sld [smem:$0x3F9E]  }
0x1a: {  	s8 =	sadd.s32 $0xFFFFE003, lr  }
0x1b: {  	s9 =	sadd.s32 $0xFFFFFEF7, lr;
	s5 =	simm.s32 $0xFFFFFFFF;
	p2 =	slt.u32 s8, $0xFFFFF086  }
0x1c: {  	p1 =	slt.u32 s9, $0xF7A;
	s5 =	simm.s32 @!p2 $0x0  }
0x1d: {  	s5 =	simm.s32 @p1 $0x1;
	p0 =	seq.s32 s7, s2  }
0x1e: {  	s7 =	smul.u32 @!p0 $0xF7A, s2;
	p2 =	seq.s32 @!p0 s5, $0x0  }
0x1f: {  	s9 =	smul.u32 $0xF7A, s1;
	s8 =	simm.s32 @!p0 $0x1BF5;
	p2 =	por !p2, p0  }
0x20: {  	[sflag:s8] =	ssyncset.s32 @!p0 $0xFFFFF086;
	s6 =	sadd.s32 @!p0 s3, s7;
	s7 =	simm.s32 @!p0 $0x108  }
0x21: {  	s3 =	sadd.s32 s3, s9;
	s6 =	sadd.s32 @!p0 $0x88, s6;
	s7 =	simm.s32 @p2 $0x1082  }
0x22: {  	[simem:s7], [sflag:s8] =	dma.local @!p0 [hbm:s6], $0xF7A  }
0x23: {  	s9 =	sor.u32 $0xD0000000, s2;
	s6 =	simm.s32 $0x108;
	_ =	swait.ge @!p0 [sflag:s8], $0x0  }
0x24: {  	s3 =	sadd.s32 $0x88, s3;
	s6 =	simm.s32 @!p1 $0x1082;
	[sflag:s4] =	ssyncset.s32 $0xFFFFF086  }
0x25: {  	[simem:s6], [sflag:s4] =	dma.local [hbm:s3], $0xF7A  }
0x26: {  	[smem:$0x3F9E] =	sst s1;
	(tag) =	ssettag s2;
	_ =	strace s9  }
0x27: {  	s1 =	sld [smem:$0x3FAE]  }
0x28: {  	s2 =	sld [smem:$0x3FAF]  }
0x29: {  	s4 =	sld [smem:$0x3FB1]  }
0x2a: {  	p0 =	seq.s32 s5, $0x0;
	s5 =	sld [smem:$0x3FB2]  }
0x2b: {  	s6 =	sld [smem:$0x3FB3]  }
0x2c: {  	s7 =	sld [smem:$0x3FB4]  }
0x2d: {  	s3 =	simm.s32 $0x108;
	s8 =	sld [smem:$0x3FB5]  }
0x2e: {  	s3 =	simm.s32 @!p0 $0x1082;
	s9 =	sld [smem:$0x3FB6]  }
0x2f: {  	lr =	sadd.s32 s0, s3;
	s0 =	sld [smem:$0x3FAD]  }
0x30: {  	s3 =	sld [smem:$0x3FB0]  }
0x31: {  	[smem:$0x3FB9] =	sst s10  }
0x32: {  	s10 =	sld [smem:$0x3FB7];
	_ =	sdelay $0x3  }
0x33: {  	p0 =	seq.s32 s10, $0x1;
	s10 =	sld [smem:$0x3FB9];
	_ =	sdelay $0x3  }
0x34: {  	[smem:$0x3FB9] =	sst s10  }
0x35: {  	s10 =	sld [smem:$0x3FB8];
	_ =	sdelay $0x3  }
0x36: {  	p1 =	seq.s32 s10, $0x1;
	s10 =	sld [smem:$0x3FB9];
	_ =	sdelay $0x3  }
0x37: {  	[smem:$0x3FB9] =	sst s10  }
0x38: {  	s10 =	sld [smem:$0x3FBA]  }
0x39: {  	_ = 	snop;
	(pc) =	sbr.ind lr, $3  }
0x3a: {  	_ = 	snop  }
0x3b: {  	_ = 	snop  }
0x3c: {  	p2 =	seq.s32 s10, $0x1;
	s10 =	sld [smem:$0x3FB9]  }
0x3d: {  	_ =	shalt  }
0x3e: {  	_ =	shalt  }
0x3f: {  	_ =	shalt  }
0x40: {  	_ =	shalt  }
0x41: {  	_ =	shalt  }
0x42: {  	_ =	shalt  }
0x43: {  	_ =	shalt  }
0x44: {  	_ =	shalt  }
0x45: {  	_ =	shalt  }
0x46: {  	_ =	shalt  }
0x47: {  	_ =	shalt  }
0x48: {  	_ =	shalt  }
0x49: {  	_ =	shalt  }
0x4a: {  	_ =	shalt  }
0x4b: {  	_ =	shalt  }
0x4c: {  	_ =	shalt  }
0x4d: {  	_ =	shalt  }
0x4e: {  	_ =	shalt  }
0x4f: {  	_ =	shalt  }
0x50: {  	_ =	shalt  }
0x51: {  	_ =	shalt  }
0x52: {  	_ =	shalt  }
0x53: {  	_ =	shalt  }
0x54: {  	_ =	shalt  }
0x55: {  	_ =	shalt  }
0x56: {  	_ =	shalt  }
0x57: {  	_ =	shalt  }
0x58: {  	_ =	shalt  }
0x59: {  	_ =	shalt  }
0x5a: {  	_ =	shalt  }
0x5b: {  	_ =	shalt  }
0x5c: {  	_ =	shalt  }
0x5d: {  	_ =	shalt  }
0x5e: {  	_ =	shalt  }
0x5f: {  	_ =	shalt  }
0x60: {  	_ =	shalt  }
0x61: {  	_ =	shalt  }
0x62: {  	_ =	shalt  }
0x63: {  	_ =	shalt  }
0x64: {  	_ =	shalt  }
0x65: {  	_ =	shalt  }
0x66: {  	_ =	shalt  }
0x67: {  	_ =	shalt  }
0x68: {  	_ =	shalt  }
0x69: {  	_ =	shalt  }
0x6a: {  	_ =	shalt  }
0x6b: {  	_ =	shalt  }
0x6c: {  	_ =	shalt  }
0x6d: {  	_ =	shalt  }
0x6e: {  	_ =	shalt  }
0x6f: {  	_ =	shalt  }
0x70: {  	_ =	shalt  }
0x71: {  	_ =	shalt  }
0x72: {  	_ =	shalt  }
0x73: {  	_ =	shalt  }
0x74: {  	_ =	shalt  }
0x75: {  	_ =	shalt  }
0x76: {  	_ =	shalt  }
0x77: {  	_ =	shalt  }
0x78: {  	_ =	shalt  }
0x79: {  	_ =	shalt  }
0x7a: {  	_ =	shalt  }
0x7b: {  	_ =	shalt  }
0x7c: {  	_ =	shalt  }
0x7d: {  	_ =	shalt  }
0x7e: {  	_ =	shalt  }
0x7f: {  	_ =	shalt  }
0x80: {  	_ =	shalt  }
0x81: {  	_ =	shalt  }
0x82: {  	_ =	shalt  }
0x83: {  	_ =	shalt  }
0x84: {  	_ =	shalt  }
0x85: {  	_ =	shalt  }
0x86: {  	_ =	shalt  }
0x87: {  	_ =	shalt  }
.Lfunc_end0:
.L_simem_size_0:
called_computation_lowered:
.L_overlay_start_0:
0x88: {  	s2 =	sld [smem:$0x3FD9]  }
0x89: {  	s3 =	sld [smem:$0x3FFE];
	_ =	sdelay $0x1  }
0x8a: {  	s1 =	srdreg.scid  }
0x8b: {  	s0 =	sand.u32 $0x1, s1  }
0x8c: {  	s14 =	sshll.u32 s0, $0xA;
	s2 =	sadd.s32 s3, s2  }
0x8d: {  	s2 =	sadd.s32 s2, s14  }
0x8e: {  	[smem:$0x3FC5] =	sst s2  }
0x8f: {  	_ = 	snop  }
0x90: {  	s2 =	sld [smem:$0x3FD0];
	_ =	sdelay $0x2  }
0x91: {  	s15 =	simm.s32 $0xA;
	s4 =	simm.s32 $0x10  }
0x92: {  	[smem:s4], [sflag:s15] =	dma.local [hbm:s2], $0x1  }
0x93: {  	_ =	swait.eq [sflag:s15], $0x1  }
0x94: {  	[sflag:s15] =	ssyncset.done $0x0  }
0x95: {  	[sflag:s15] =	ssyncadd.s32 $0xFFFFFFFF  }
0x96: {  	s16 =	sld [smem:$0x10];
	(tm) =	ssettm $0x1  }
0x97: {  	s17 =	sld [smem:$0x3FFB];
	_ =	sdelay $0x3  }
0x98: {  	_ =	strace s17  }
0x99: {  	s3 =	sld [smem:$0x3FFC];
	_ =	sdelay $0x3  }
0x9a: {  	_ =	strace s3  }
0x9b: {  	s3 =	sld [smem:$0x3FFD];
	_ =	sdelay $0x3  }
0x9c: {  	_ =	strace s3  }
0x9d: {  	_ =	strace $0x8FFFFFFF  }
0x9e: {  	s18 =	sld [smem:$0x3FDB];
	_ =	sdelay $0x1  }
0x9f: {  	s19 =	simm.s32 $_scs_section_size  }
0xa0: {  	s5 =	simm.s32 $_size__tile_overlayer_lowered;
	s6 =	simm.s32 $_tile_overlayer_lowered  }
0xa1: {  	s22 =	simm.s32 $0x1BFF;
	s21 =	sshll.u32 s6, $0x1;
	s3 =	sadd.s32 s19, s18  }
0xa2: {  	s7 =	simm.s32 $0x0;
	s20 =	sshll.u32 s5, $0x1;
	s5 =	sadd.s32 s21, s3  }
0xa3: {  	[timem:s7], [sflag:s22] =	dma.local [hbm:s5], s20  }
0xa4: {  	_ =	swait.ge [sflag:s22], s20  }
0xa5: {  	s4 =	ssub.s32 $0x0, s20;
	[sflag:s22] =	ssyncset.done $0x0  }
0xa6: {  	[sflag:s22] =	ssyncadd.s32 s4;
	_ =	sdelay $0x1  }
0xa7: {  	s23 =	simm.s32 $0x1B8B  }
0xa8: {  	_ =	swait.ge [sflag:s23], $0x1  }
0xa9: {  	[sflag:s23] =	ssyncset.done $0x0  }
0xaa: {  	s25 =	simm.s32 $0x1B8E;
	s24 =	sld [smem:$0x3FFE];
	[sflag:s23] =	ssyncadd.s32 $0xFFFFFFFF  }
0xab: {  	s26 =	simm.s32 $execute0_lowered;
	[smem:$0x3FD2] =	sst s25  }
0xac: {  	s5 =	sshll.u32 s26, $0x1;
	_ =	strace $0x80000046;
	[dreg:$0x1] =	wrdreg $0xFFFFFFFF  }
0xad: {  	s28 =	simm.s32 $_size_execute0_lowered;
	s3 =	sadd.s32 s3, s5;
	[dreg:$0x0] =	wrdreg $0x0  }
0xae: {  	s5 =	sshll.u32 s28, $0x1;
	[dreg:$0x2] =	wrdreg s3  }
0xaf: {  	[dreg:$0x3] =	wrdreg s5  }
0xb0: {  	[dreg:$0x4] =	wrdreg $0xC0  }
0xb1: {  	_ =	task [dreg:s7], $0x5FFFF  }
0xb2: {  	[dreg:$0x1] =	wrdreg $0xFFFFFFFF  }
0xb3: {  	[dreg:$0x0] =	wrdreg $0x60  }
0xb4: {  	[dreg:$0x2] =	wrdreg s24  }
0xb5: {  	[dreg:$0x3] =	wrdreg s16  }
0xb6: {  	[dreg:$0x4] =	wrdreg $0x9  }
0xb7: {  	_ =	task.clear_ibuf [dreg:s7], $0x5FFFF;
	_ =	strace $0x90000046  }
0xb8: {  	s29 =	simm.s32 $0x9;
	_ =	strace $0x80000048  }
0xb9: {  	_ =	swait.ge [sflag:s29], $0x1  }
0xba: {  	[sflag:s29] =	ssyncadd.s32 $0xFFFFFFFF  }
0xbb: {  	_ =	strace $0x90000048  }
0xbc: {  	_ =	sfence  }
0xbd: {  	s30 =	sld [smem:$0x0];
	_ =	sdelay $0x2  }
0xbe: {  	s31 =	sshll.u32 s1, $0xD;
	s1 =	sshrl.u32 s1, $0x2  }
0xbf: {  	s3 =	sand.u32 $0x4000, s31;
	s1 =	sadd.s32 s1, s30  }
0xc0: {  	s0 =	sor.u32 s3, s0;
	s1 =	sshll.u32 s1, $0x11  }
0xc1: {  	s0 =	sor.u32 s1, s0  }
0xc2: {  	s0 =	sadd.s32 $0x8F2B, s0  }
0xc3: {  	[sflag:s0] =	ssyncadd.remote.s32 $0x1  }
0xc4: {  	_ =	sfence.sel $0xFFFF  }
0xc5: {  	[dreg:$0x0] =	wrdreg $0xFFFFFFFF;
	(pc) =	sbr.abs _section_cstart, $3  }
0xc6: {  	[dreg:$0x1] =	wrdreg $0xFFFFFFFF  }
0xc7: {  	_ =	task.clear_ibuf [dreg:s7], $0x2FFFF;
	_ =	strace $0x9FFFFFFF  }
0xc8: {  	(tm) =	ssettm $0x7FFFFFFF  }
0xc9: {  	_ =	shalt  }
tec
execute0_lowered:
.L_overlay_start_1:
0x0: {  	(tag) =	ssettag $0x1  }
0x1: {  	s1 =	srdreg.scid  }
0x2: {  	s0 =	stileid.u32;
	s3 =	rddreg [dreg:$0x0]  }
0x3: {  	s5 =	rddreg [dreg:$0x1];
	s19 =	simm.s32 $0x900;
	s20 =	simm.s32 $0x1100  }
0x4: {  	s21 =	simm.s32 $0x1900;
	s23 =	simm.s32 $0x2100;
	s24 =	simm.s32 $0x2900  }
0x5: {  	s25 =	simm.s32 $0x3100;
	s26 =	simm.s32 $0x3900;
	s8 =	simm.s32 $0x4900  }
0x6: {  	s9 =	simm.s32 $0x5100;
	s10 =	simm.s32 $0x5900;
	s11 =	simm.s32 $0x6100  }
0x7: {  	s12 =	simm.s32 $0x6900;
	s13 =	simm.s32 $0x7100;
	s14 =	simm.s32 $0x7900  }
0x8: {  	s15 =	simm.s32 $0x8100;
	s16 =	simm.s32 $0x8900;
	s1 =	sand.u32 $0x1, s1  }
0x9: {  	s17 =	simm.s32 $0x9100;
	s2 =	sshll.u32 s0, $0x9;
	s4 =	sshll.u32 s1, $0x8  }
0xa: {  	s18 =	simm.s32 $0x9900;
	s4 =	sor.u32 s4, s2;
	s2 =	simm.s32 $0x0  }
0xb: {  	s28 =	simm.s32 $0xE100;
	s29 =	simm.s32 $0xE900;
	[smem:$0x7FF] =	sst s2  }
0xc: {  	s30 =	simm.s32 $0xF100;
	_ =	strace $0x80000047;
	[dreg:$0x5] =	wrdreg s19  }
0xd: {  	s31 =	simm.s32 $0xF900;
	s1 =	ssub.s32 $0x2, s1;
	[dreg:$0x6] =	wrdreg s20  }
0xe: {  	s22 =	sshrl.u32 s1, $0x1;
	s6 =	sshrl.u32 s4, $0x3;
	[dreg:$0x7] =	wrdreg s21  }
0xf: {  	s4 =	sshll.u32 s4, $0x5;
	s1 =	ssub.s32 s1, s22;
	[dreg:$0x8] =	wrdreg s23  }
0x10: {  	s22 =	simm.s32 $0xB900;
	s6 =	sadd.s32 s6, s3;
	[dreg:$0x9] =	wrdreg s24  }
0x11: {  	s4 =	sadd.s32 s5, s4;
	s3 =	sadd.s32 $0xE00, s3;
	[dreg:$0xa] =	wrdreg s25  }
0x12: {  	s5 =	simm.s32 $0x2;
	[dreg:$0xb] =	wrdreg s26;
	s19 =	simm.s32 $0xA100  }
0x13: {  	s20 =	simm.s32 $0xA900;
	s21 =	simm.s32 $0xB100;
	s23 =	simm.s32 $0xC100  }
0x14: {  	v2 =	vlaneseq.u32;
	s24 =	simm.s32 $0xC900;
	s25 =	simm.s32 $0xD100;
	s26 =	simm.s32 $0xD900  }
0x15: {  	vm0 =	vmmov $0xffff;
	v1 =	vshrl.u32 v2, $0x3;
	s6 =	sadd.s32 $0x8E00, s6;
	[dreg:$0x4] =	wrdreg s4;
	s4 =	smax.u32 s1, $0x1  }
0x16: {  	v0 =	vand.u32 $0x7, v2;
	v2 =	vor.u32 $0x8, v2;
	v1 =	vmul.u32 $0x8, v1;
	s1 =	simm.s32 $0x1;
	[dreg:$0x3] =	wrdreg s6;
	s6 =	simm.s32 $0x100  }
.LBB2_1:
0x17: {  	s0 =	rddreg [dreg:$0x3]  }
0x18: {  	[tilespmem:s2], [sflag:$0x2] =	stream.linear.gather [hbm4b:s0+s2], $0x100, $0x38;
	[tilespmem:$0x10100] =	vst v63  }
0x19: {  	_ =	swait.ge [sflag:s5], $0x100  }
0x1a: {  	[sflag:s5] =	ssyncset.done $0x0  }
0x1b: {  	[sflag:s5] =	ssyncadd.s32 $0xFFFFFF00  }
0x1c: {  	v3 =	vld [tilespmem:$0x0];
	_ =	sdelay $0x4  }
0x1d: {  	v4 =	vshll.u32 v3, $0x1  }
0x1e: {  	v3 =	vand.u32 $0x7, v3;
	v4 =	vand.u32 $0xFFFFFFF0, v4  }
0x1f: {  	v3 =	vor.u32 v3, v4  }
0x20: {  	v4 =	vperm.xlane v3, v0;
	_ =	sdelay $0x1  }
0x21: {  	v3 =	vperm.xlane v3, v2;
	v4 =	vadd.s32 v1, v4;
	_ =	sdelay $0x1  }
0x22: {  	v3 =	vadd.s32 v1, v3;
	_ =	sdelay $0x2  }
0x23: {  	[tilespmem:s6], [sflag:$0x1] =	stream.indirect_vreg.gather [hbm4b:s3+s2], $0x80, v4, vm0, $0xb8;
	[tilespmem:$0x10100] =	vst v63  }
0x24: {  	s7 =	rddreg [dreg:$0x5]  }
0x25: {  	[tilespmem:s7], [sflag:$0x1] =	stream.indirect_vreg.gather [hbm4b:s3+s2], $0x80, v3, vm0, $0xb8;
	[tilespmem:$0x10100] =	vst v63  }
0x26: {  	v3 =	vld [tilespmem:$0x10];
	_ =	sdelay $0x4  }
0x27: {  	v49 =	vshll.u32 v3, $0x1  }
0x28: {  	v3 =	vand.u32 $0x7, v3;
	v4 =	vand.u32 $0xFFFFFFF0, v49  }
0x29: {  	v3 =	vor.u32 v3, v4  }
0x2a: {  	v4 =	vperm.xlane v3, v0;
	_ =	sdelay $0x1  }
0x2b: {  	v3 =	vperm.xlane v3, v2;
	v4 =	vadd.s32 v1, v4;
	_ =	sdelay $0x1  }
0x2c: {  	v3 =	vadd.s32 v1, v3;
	_ =	sdelay $0x1  }
0x2d: {  	s0 =	rddreg [dreg:$0x6]  }
0x2e: {  	[tilespmem:s0], [sflag:$0x1] =	stream.indirect_vreg.gather [hbm4b:s3+s2], $0x80, v4, vm0, $0xb8;
	[tilespmem:$0x10100] =	vst v63  }
0x2f: {  	s7 =	rddreg [dreg:$0x7]  }
0x30: {  	[tilespmem:s7], [sflag:$0x1] =	stream.indirect_vreg.gather [hbm4b:s3+s2], $0x80, v3, vm0, $0xb8;
	[tilespmem:$0x10100] =	vst v63  }
0x31: {  	v3 =	vld [tilespmem:$0x20];
	_ =	sdelay $0x4  }
0x32: {  	v50 =	vshll.u32 v3, $0x1  }
0x33: {  	v3 =	vand.u32 $0x7, v3;
	v4 =	vand.u32 $0xFFFFFFF0, v50  }
0x34: {  	v3 =	vor.u32 v3, v4  }
0x35: {  	v4 =	vperm.xlane v3, v0;
	_ =	sdelay $0x1  }
0x36: {  	v3 =	vperm.xlane v3, v2;
	v4 =	vadd.s32 v1, v4;
	_ =	sdelay $0x1  }
0x37: {  	v3 =	vadd.s32 v1, v3;
	_ =	sdelay $0x1  }
0x38: {  	s0 =	rddreg [dreg:$0x8]  }
0x39: {  	[tilespmem:s0], [sflag:$0x1] =	stream.indirect_vreg.gather [hbm4b:s3+s2], $0x80, v4, vm0, $0xb8;
	[tilespmem:$0x10100] =	vst v63  }
0x3a: {  	s7 =	rddreg [dreg:$0x9]  }
0x3b: {  	[tilespmem:s7], [sflag:$0x1] =	stream.indirect_vreg.gather [hbm4b:s3+s2], $0x80, v3, vm0, $0xb8;
	[tilespmem:$0x10100] =	vst v63  }
0x3c: {  	v3 =	vld [tilespmem:$0x30];
	_ =	sdelay $0x4  }
0x3d: {  	v51 =	vshll.u32 v3, $0x1  }
0x3e: {  	v3 =	vand.u32 $0x7, v3;
	v4 =	vand.u32 $0xFFFFFFF0, v51  }
0x3f: {  	v3 =	vor.u32 v3, v4  }
0x40: {  	v4 =	vperm.xlane v3, v0;
	_ =	sdelay $0x1  }
0x41: {  	v3 =	vperm.xlane v3, v2;
	v4 =	vadd.s32 v1, v4;
	_ =	sdelay $0x1  }
0x42: {  	v3 =	vadd.s32 v1, v3;
	_ =	sdelay $0x1  }
0x43: {  	s0 =	rddreg [dreg:$0xa]  }
0x44: {  	[tilespmem:s0], [sflag:$0x1] =	stream.indirect_vreg.gather [hbm4b:s3+s2], $0x80, v4, vm0, $0xb8;
	[tilespmem:$0x10100] =	vst v63  }
0x45: {  	s7 =	rddreg [dreg:$0xb]  }
0x46: {  	[tilespmem:s7], [sflag:$0x1] =	stream.indirect_vreg.gather [hbm4b:s3+s2], $0x80, v3, vm0, $0xb8;
	[tilespmem:$0x10100] =	vst v63  }
0x47: {  	v3 =	vld [tilespmem:$0x40];
	_ =	sdelay $0x4  }
0x48: {  	v52 =	vshll.u32 v3, $0x1  }
0x49: {  	v3 =	vand.u32 $0x7, v3;
	v4 =	vand.u32 $0xFFFFFFF0, v52  }
0x4a: {  	v3 =	vor.u32 v3, v4  }
0x4b: {  	v4 =	vperm.xlane v3, v0;
	_ =	sdelay $0x1  }
0x4c: {  	v3 =	vperm.xlane v3, v2;
	v4 =	vadd.s32 v1, v4;
	_ =	sdelay $0x1  }
0x4d: {  	v3 =	vadd.s32 v1, v3;
	_ =	sdelay $0x1  }
0x4e: {  	s7 =	simm.s32 $0x4100  }
0x4f: {  	[tilespmem:s7], [sflag:$0x1] =	stream.indirect_vreg.gather [hbm4b:s3+s2], $0x80, v4, vm0, $0xb8;
	[tilespmem:$0x10100] =	vst v63  }
0x50: {  	_ = 	snop  }
0x51: {  	[tilespmem:s8], [sflag:$0x1] =	stream.indirect_vreg.gather [hbm4b:s3+s2], $0x80, v3, vm0, $0xb8;
	[tilespmem:$0x10100] =	vst v63  }
0x52: {  	v3 =	vld [tilespmem:$0x50];
	_ =	sdelay $0x4  }
0x53: {  	v53 =	vshll.u32 v3, $0x1  }
0x54: {  	v3 =	vand.u32 $0x7, v3;
	v4 =	vand.u32 $0xFFFFFFF0, v53  }
0x55: {  	v3 =	vor.u32 v3, v4  }
0x56: {  	v4 =	vperm.xlane v3, v0;
	_ =	sdelay $0x1  }
0x57: {  	v3 =	vperm.xlane v3, v2;
	v4 =	vadd.s32 v1, v4;
	_ =	sdelay $0x1  }
0x58: {  	v3 =	vadd.s32 v1, v3;
	_ =	sdelay $0x2  }
0x59: {  	[tilespmem:s9], [sflag:$0x1] =	stream.indirect_vreg.gather [hbm4b:s3+s2], $0x80, v4, vm0, $0xb8;
	[tilespmem:$0x10100] =	vst v63  }
0x5a: {  	_ = 	snop  }
0x5b: {  	[tilespmem:s10], [sflag:$0x1] =	stream.indirect_vreg.gather [hbm4b:s3+s2], $0x80, v3, vm0, $0xb8;
	[tilespmem:$0x10100] =	vst v63  }
0x5c: {  	v3 =	vld [tilespmem:$0x60];
	_ =	sdelay $0x4  }
0x5d: {  	v54 =	vshll.u32 v3, $0x1  }
0x5e: {  	v3 =	vand.u32 $0x7, v3;
	v4 =	vand.u32 $0xFFFFFFF0, v54  }
0x5f: {  	v3 =	vor.u32 v3, v4  }
0x60: {  	v4 =	vperm.xlane v3, v0;
	_ =	sdelay $0x1  }
0x61: {  	v3 =	vperm.xlane v3, v2;
	v4 =	vadd.s32 v1, v4;
	_ =	sdelay $0x1  }
0x62: {  	v3 =	vadd.s32 v1, v3;
	_ =	sdelay $0x2  }
0x63: {  	[tilespmem:s11], [sflag:$0x1] =	stream.indirect_vreg.gather [hbm4b:s3+s2], $0x80, v4, vm0, $0xb8;
	[tilespmem:$0x10100] =	vst v63  }
0x64: {  	_ = 	snop  }
0x65: {  	[tilespmem:s12], [sflag:$0x1] =	stream.indirect_vreg.gather [hbm4b:s3+s2], $0x80, v3, vm0, $0xb8;
	[tilespmem:$0x10100] =	vst v63  }
0x66: {  	v3 =	vld [tilespmem:$0x70];
	_ =	sdelay $0x4  }
0x67: {  	v55 =	vshll.u32 v3, $0x1  }
0x68: {  	v3 =	vand.u32 $0x7, v3;
	v4 =	vand.u32 $0xFFFFFFF0, v55  }
0x69: {  	v3 =	vor.u32 v3, v4  }
0x6a: {  	v4 =	vperm.xlane v3, v0;
	_ =	sdelay $0x1  }
0x6b: {  	v3 =	vperm.xlane v3, v2;
	v4 =	vadd.s32 v1, v4;
	_ =	sdelay $0x1  }
0x6c: {  	v3 =	vadd.s32 v1, v3;
	_ =	sdelay $0x2  }
0x6d: {  	[tilespmem:s13], [sflag:$0x1] =	stream.indirect_vreg.gather [hbm4b:s3+s2], $0x80, v4, vm0, $0xb8;
	[tilespmem:$0x10100] =	vst v63  }
0x6e: {  	_ = 	snop  }
0x6f: {  	[tilespmem:s14], [sflag:$0x1] =	stream.indirect_vreg.gather [hbm4b:s3+s2], $0x80, v3, vm0, $0xb8;
	[tilespmem:$0x10100] =	vst v63  }
0x70: {  	v3 =	vld [tilespmem:$0x80];
	_ =	sdelay $0x4  }
0x71: {  	v56 =	vshll.u32 v3, $0x1  }
0x72: {  	v3 =	vand.u32 $0x7, v3;
	v4 =	vand.u32 $0xFFFFFFF0, v56  }
0x73: {  	v3 =	vor.u32 v3, v4  }
0x74: {  	v4 =	vperm.xlane v3, v0;
	_ =	sdelay $0x1  }
0x75: {  	v3 =	vperm.xlane v3, v2;
	v4 =	vadd.s32 v1, v4;
	_ =	sdelay $0x1  }
0x76: {  	v3 =	vadd.s32 v1, v3;
	_ =	sdelay $0x2  }
0x77: {  	[tilespmem:s15], [sflag:$0x1] =	stream.indirect_vreg.gather [hbm4b:s3+s2], $0x80, v4, vm0, $0xb8;
	[tilespmem:$0x10100] =	vst v63  }
0x78: {  	_ = 	snop  }
0x79: {  	[tilespmem:s16], [sflag:$0x1] =	stream.indirect_vreg.gather [hbm4b:s3+s2], $0x80, v3, vm0, $0xb8;
	[tilespmem:$0x10100] =	vst v63  }
0x7a: {  	v3 =	vld [tilespmem:$0x90];
	_ =	sdelay $0x4  }
0x7b: {  	v57 =	vshll.u32 v3, $0x1  }
0x7c: {  	v3 =	vand.u32 $0x7, v3;
	v4 =	vand.u32 $0xFFFFFFF0, v57  }
0x7d: {  	v3 =	vor.u32 v3, v4  }
0x7e: {  	v4 =	vperm.xlane v3, v0;
	_ =	sdelay $0x1  }
0x7f: {  	v3 =	vperm.xlane v3, v2;
	v4 =	vadd.s32 v1, v4;
	_ =	sdelay $0x1  }
0x80: {  	v3 =	vadd.s32 v1, v3;
	_ =	sdelay $0x2  }
0x81: {  	[tilespmem:s17], [sflag:$0x1] =	stream.indirect_vreg.gather [hbm4b:s3+s2], $0x80, v4, vm0, $0xb8;
	[tilespmem:$0x10100] =	vst v63  }
0x82: {  	_ = 	snop  }
0x83: {  	[tilespmem:s18], [sflag:$0x1] =	stream.indirect_vreg.gather [hbm4b:s3+s2], $0x80, v3, vm0, $0xb8;
	[tilespmem:$0x10100] =	vst v63  }
0x84: {  	v3 =	vld [tilespmem:$0xA0];
	_ =	sdelay $0x4  }
0x85: {  	v58 =	vshll.u32 v3, $0x1  }
0x86: {  	v3 =	vand.u32 $0x7, v3;
	v4 =	vand.u32 $0xFFFFFFF0, v58  }
0x87: {  	v3 =	vor.u32 v3, v4  }
0x88: {  	v4 =	vperm.xlane v3, v0;
	_ =	sdelay $0x1  }
0x89: {  	v3 =	vperm.xlane v3, v2;
	v4 =	vadd.s32 v1, v4;
	_ =	sdelay $0x1  }
0x8a: {  	v3 =	vadd.s32 v1, v3;
	_ =	sdelay $0x2  }
0x8b: {  	[tilespmem:s19], [sflag:$0x1] =	stream.indirect_vreg.gather [hbm4b:s3+s2], $0x80, v4, vm0, $0xb8;
	[tilespmem:$0x10100] =	vst v63  }
0x8c: {  	_ = 	snop  }
0x8d: {  	[tilespmem:s20], [sflag:$0x1] =	stream.indirect_vreg.gather [hbm4b:s3+s2], $0x80, v3, vm0, $0xb8;
	[tilespmem:$0x10100] =	vst v63  }
0x8e: {  	v3 =	vld [tilespmem:$0xB0];
	_ =	sdelay $0x4  }
0x8f: {  	v59 =	vshll.u32 v3, $0x1  }
0x90: {  	v3 =	vand.u32 $0x7, v3;
	v4 =	vand.u32 $0xFFFFFFF0, v59  }
0x91: {  	v3 =	vor.u32 v3, v4  }
0x92: {  	v4 =	vperm.xlane v3, v0;
	_ =	sdelay $0x1  }
0x93: {  	v3 =	vperm.xlane v3, v2;
	v4 =	vadd.s32 v1, v4;
	_ =	sdelay $0x1  }
0x94: {  	v3 =	vadd.s32 v1, v3;
	_ =	sdelay $0x2  }
0x95: {  	[tilespmem:s21], [sflag:$0x1] =	stream.indirect_vreg.gather [hbm4b:s3+s2], $0x80, v4, vm0, $0xb8;
	[tilespmem:$0x10100] =	vst v63  }
0x96: {  	_ = 	snop  }
0x97: {  	[tilespmem:s22], [sflag:$0x1] =	stream.indirect_vreg.gather [hbm4b:s3+s2], $0x80, v3, vm0, $0xb8;
	[tilespmem:$0x10100] =	vst v63  }
0x98: {  	v3 =	vld [tilespmem:$0xC0];
	_ =	sdelay $0x4  }
0x99: {  	v60 =	vshll.u32 v3, $0x1  }
0x9a: {  	v3 =	vand.u32 $0x7, v3;
	v4 =	vand.u32 $0xFFFFFFF0, v60  }
0x9b: {  	v3 =	vor.u32 v3, v4  }
0x9c: {  	v4 =	vperm.xlane v3, v0;
	_ =	sdelay $0x1  }
0x9d: {  	v3 =	vperm.xlane v3, v2;
	v4 =	vadd.s32 v1, v4;
	_ =	sdelay $0x1  }
0x9e: {  	v3 =	vadd.s32 v1, v3;
	_ =	sdelay $0x2  }
0x9f: {  	[tilespmem:s23], [sflag:$0x1] =	stream.indirect_vreg.gather [hbm4b:s3+s2], $0x80, v4, vm0, $0xb8;
	[tilespmem:$0x10100] =	vst v63  }
0xa0: {  	_ = 	snop  }
0xa1: {  	[tilespmem:s24], [sflag:$0x1] =	stream.indirect_vreg.gather [hbm4b:s3+s2], $0x80, v3, vm0, $0xb8;
	[tilespmem:$0x10100] =	vst v63  }
0xa2: {  	v3 =	vld [tilespmem:$0xD0];
	_ =	sdelay $0x4  }
0xa3: {  	v61 =	vshll.u32 v3, $0x1  }
0xa4: {  	v3 =	vand.u32 $0x7, v3;
	v4 =	vand.u32 $0xFFFFFFF0, v61  }
0xa5: {  	v3 =	vor.u32 v3, v4  }
0xa6: {  	v4 =	vperm.xlane v3, v0;
	_ =	sdelay $0x1  }
0xa7: {  	v3 =	vperm.xlane v3, v2;
	v4 =	vadd.s32 v1, v4;
	_ =	sdelay $0x1  }
0xa8: {  	v3 =	vadd.s32 v1, v3;
	_ =	sdelay $0x2  }
0xa9: {  	[tilespmem:s25], [sflag:$0x1] =	stream.indirect_vreg.gather [hbm4b:s3+s2], $0x80, v4, vm0, $0xb8;
	[tilespmem:$0x10100] =	vst v63  }
0xaa: {  	_ = 	snop  }
0xab: {  	[tilespmem:s26], [sflag:$0x1] =	stream.indirect_vreg.gather [hbm4b:s3+s2], $0x80, v3, vm0, $0xb8;
	[tilespmem:$0x10100] =	vst v63  }
0xac: {  	v3 =	vld [tilespmem:$0xE0];
	_ =	sdelay $0x4  }
0xad: {  	v62 =	vshll.u32 v3, $0x1  }
0xae: {  	v3 =	vand.u32 $0x7, v3;
	v4 =	vand.u32 $0xFFFFFFF0, v62  }
0xaf: {  	v3 =	vor.u32 v3, v4  }
0xb0: {  	v4 =	vperm.xlane v3, v0;
	_ =	sdelay $0x1  }
0xb1: {  	v3 =	vperm.xlane v3, v2;
	v4 =	vadd.s32 v1, v4;
	_ =	sdelay $0x1  }
0xb2: {  	v3 =	vadd.s32 v1, v3;
	_ =	sdelay $0x2  }
0xb3: {  	[tilespmem:s28], [sflag:$0x1] =	stream.indirect_vreg.gather [hbm4b:s3+s2], $0x80, v4, vm0, $0xb8;
	[tilespmem:$0x10100] =	vst v63  }
0xb4: {  	_ = 	snop  }
0xb5: {  	[tilespmem:s29], [sflag:$0x1] =	stream.indirect_vreg.gather [hbm4b:s3+s2], $0x80, v3, vm0, $0xb8;
	[tilespmem:$0x10100] =	vst v63  }
0xb6: {  	v3 =	vld [tilespmem:$0xF0];
	_ =	sdelay $0x4  }
0xb7: {  	v63 =	vshll.u32 v3, $0x1  }
0xb8: {  	v3 =	vand.u32 $0x7, v3;
	v4 =	vand.u32 $0xFFFFFFF0, v63  }
0xb9: {  	v3 =	vor.u32 v3, v4  }
0xba: {  	v4 =	vperm.xlane v3, v0;
	_ =	sdelay $0x1  }
0xbb: {  	v3 =	vperm.xlane v3, v2;
	v4 =	vadd.s32 v1, v4;
	_ =	sdelay $0x1  }
0xbc: {  	v3 =	vadd.s32 v1, v3;
	_ =	sdelay $0x2  }
0xbd: {  	[tilespmem:s30], [sflag:$0x1] =	stream.indirect_vreg.gather [hbm4b:s3+s2], $0x80, v4, vm0, $0xb8;
	[tilespmem:$0x10100] =	vst v63  }
0xbe: {  	_ = 	snop  }
0xbf: {  	[tilespmem:s31], [sflag:$0x1] =	stream.indirect_vreg.gather [hbm4b:s3+s2], $0x80, v3, vm0, $0xb8;
	[tilespmem:$0x10100] =	vst v63  }
0xc0: {  	_ =	swait.ge [sflag:s1], $0x10000  }
0xc1: {  	p0 =	sne.s32 s4, $0x1;
	[sflag:s1] =	ssyncset.done $0x0  }
.Ltmp0:
0xc2: {  	s7 =	rddreg [dreg:$0x4];
	[sflag:s1] =	ssyncadd.s32 $0xFFFF0000;
	(pc) =	sbr.rel @p0 .LBB2_1-.Ltmp0, $4  }
0xc3: {  	[hbm4b:s7+s2] =	stream.linear.scatter [tilespmem:s6], [sflag:$0x2], $0x10000, $0x38;
	[tilespmem:$0x10100] =	vst v63  }
0xc4: {  	_ =	swait.ge [sflag:s5], $0x10000  }
0xc5: {  	[sflag:s5] =	ssyncset.done $0x0  }
0xc6: {  	s4 =	sadd.s32 $0xFFFFFFFF, s4;
	[sflag:s5] =	ssyncadd.s32 $0xFFFF0000  }
0xc7: {  	_ =	sfence.sel $0x180000  }
0xc8: {  	[bflag:$0x0] =	sbarrier.arrive $0xFFFF  }
0xc9: {  	_ =	strace $0x90000047  }
0xca: {  	s0 =	stileid.u32;
	[bflag:$0x2] =	sbarrier.arrive $0xFFFF  }
0xcb: {  	p0 =	sne.s32 s0, $0x0;
	s0 =	rddreg [dreg:$0x2]  }
0xcc: {  	s0 =	sadd.s32 @!p0 $0x100000, s0  }
0xcd: {  	[sflag:s0] =	ssyncadd.tile.s32 @!p0 $0x1;
	_ =	shalt  }
.Lfunc_end2:
_tile_overlayer_lowered:
.L_overlay_start_2:
0xce: {  	(tag) =	ssettag $0x2  }
0xcf: {  	s0 =	rddreg [dreg:$0x0];
	s2 =	stileid.u32  }
0xd0: {  	s1 =	rddreg [dreg:$0x1];
	p0 =	sne.s32 s2, $0x0  }
0xd1: {  	s3 =	rddreg [dreg:$0x2];
	[bflag:$0x3] =	sbarrier.arrive $0xFFFF;
	s2 =	simm.s32 @!p0 $0x1C02  }
0xd2: {  	[timem:s3], [sflag:s2] =	dma.local @!p0 [hbm:s0], s1  }
0xd3: {  	s0 =	simm.s32 @!p0 $0x2  }
0xd4: {  	_ =	swait.ge @!p0 [sflag:s0], s1  }
0xd5: {  	s1 =	ssub.s32 @!p0 $0x0, s1;
	[sflag:s0] =	ssyncset.done @!p0 $0x0  }
0xd6: {  	[sflag:s0] =	ssyncadd.s32 @!p0 s1  }
0xd7: {  	[bflag:$0x3] =	sbarrier.arrive $0xFFFF  }
0xd8: {  	_ =	shalt  }

</sc_bundles>
